<compile_context>
chip_gen: v7x
topology: tpu7x:2x2x1
jax: 0.10.2.dev20260603
libtpu: 0.0.44.dev20260713+nightly
codegen_flags: <defaults>
</compile_context>

<pallas_src>
import functools

import jax
import jax.numpy as jnp
from jax import lax
from jax.experimental import pallas as pl
from jax.experimental.pallas import tpu as pltpu
from jax.experimental.pallas import tpu_sc as plsc

N = 10000
E = 320000
CIN = 128
COUT = 256
NP = 10240
FC = 64
F = 80
NBLK = 2512
EPAD = NBLK * 128
NTILE = 16
TPB = NBLK // NTILE
RB = 2048
GRID = NP // RB
RPT = NP // NTILE


def _h_alpha_body(x_ref, w_ref, aw_ref, h0_ref, h1_ref, h2_ref, h3_ref,
                  alpha_ref, hsum_ref):
    i = pl.program_id(0)
    xb = x_ref[...]
    hb = lax.dot_general(xb, w_ref[...], (((1,), (1,)), ((), ())),
                         preferred_element_type=jnp.float32)
    a = jnp.sum(hb * aw_ref[...], axis=1, keepdims=True)
    s = jnp.sum(hb, axis=1, keepdims=True)
    al = a * s
    alpha_ref[...] = jnp.where(al >= 0, al, 0.2 * al)
    rows = i * RB + lax.broadcasted_iota(jnp.int32, (RB, 1), 0)
    ones = jnp.where(rows < N, 1.0, 0.0).astype(jnp.float32)
    pad = jnp.zeros((RB, F - FC - 1), jnp.float32)
    for k, ref in enumerate((h0_ref, h1_ref, h2_ref, h3_ref)):
        ref[...] = jnp.concatenate(
            [hb[:, k * FC:(k + 1) * FC], ones, pad], axis=1)

    @pl.when(i == 0)
    def _():
        hsum_ref[...] = jnp.zeros_like(hsum_ref)

    hsum_ref[...] += jnp.sum(hb, axis=0, keepdims=True)


_h_alpha = pl.pallas_call(
    _h_alpha_body,
    grid=(GRID,),
    in_specs=[
        pl.BlockSpec((RB, CIN), lambda i: (i, 0)),
        pl.BlockSpec((COUT, CIN), lambda i: (0, 0)),
        pl.BlockSpec((1, COUT), lambda i: (0, 0)),
    ],
    out_specs=[pl.BlockSpec((RB, F), lambda i: (i, 0))] * 4 + [
        pl.BlockSpec((RB, 1), lambda i: (i, 0)),
        pl.BlockSpec((1, COUT), lambda i: (0, 0)),
    ],
    out_shape=[jax.ShapeDtypeStruct((NP, F), jnp.float32)] * 4 + [
        jax.ShapeDtypeStruct((NP, 1), jnp.float32),
        jax.ShapeDtypeStruct((1, COUT), jnp.float32),
    ],
)


@functools.partial(
    pl.kernel,
    mesh=plsc.VectorSubcoreMesh(core_axis_name="c", subcore_axis_name="s"),
    compiler_params=pltpu.CompilerParams(use_tc_tiling_on_sc=False),
    out_type=[pltpu.HBM((NP, F), jnp.float32),
              pltpu.HBM((NP, F), jnp.float32)],
    scratch_types=[
        pltpu.VMEM((TPB * 128,), jnp.int32),
        pltpu.VMEM((TPB * 128,), jnp.int32),
        pltpu.VMEM((128, F), jnp.float32),
        pltpu.VMEM((128, F), jnp.float32),
        pltpu.VMEM((128, F), jnp.float32),
        pltpu.VMEM_SHARED((NP, F), jnp.float32),
        pltpu.SemaphoreType.DMA,
        pltpu.SemaphoreType.DMA,
    ],
)
def _seg_sum(ha, hb, cgf, rsp3, zrows, s_out0, s_out1, idx_all, r3, rows_a,
             rows_b, zbuf, s_acc, sem_a, sem_b):
    c = lax.axis_index("c")
    s = lax.axis_index("s")
    pltpu.sync_copy(zrows, zbuf)
    for kk in range(RPT // 128):
        pltpu.sync_copy(zbuf, s_acc.at[pl.ds(s * RPT + kk * 128, 128)])
    pltpu.sync_copy(cgf.at[pl.ds(s * TPB * 128, TPB * 128)], idx_all)
    pltpu.sync_copy(rsp3.at[pl.ds(s * TPB * 128, TPB * 128)], r3)
    plsc.subcore_barrier()

    def run(hsel):
        def start(j, buf, sem):
            pltpu.async_copy(hsel.at[idx_all.at[pl.ds(j * 128, 128)]],
                             buf, sem)

        def wait(buf, sem):
            pltpu.make_async_copy(zrows, buf, sem).wait()

        def scatter(buf, j):
            pltpu.sync_copy(buf, s_acc.at[r3.at[pl.ds(j * 128, 128)]],
                            add=True)

        start(0, rows_a, sem_a)
        def body(i, carry):
            j = 2 * i
            wait(rows_a, sem_a)
            start(j + 1, rows_b, sem_b)
            scatter(rows_a, j)
            wait(rows_b, sem_b)
            start(j + 2, rows_a, sem_a)
            scatter(rows_b, j + 1)
            return carry

        lax.fori_loop(0, (TPB - 1) // 2, body, 0)
        wait(rows_a, sem_a)
        scatter(rows_a, TPB - 1)

    @pl.when(c == 0)
    def _():
        run(ha)

    @pl.when(c == 1)
    def _():
        run(hb)

    plsc.subcore_barrier()

    @pl.when(c == 0)
    def _():
        pltpu.sync_copy(s_acc.at[pl.ds(s * RPT, RPT)],
                        s_out0.at[pl.ds(s * RPT, RPT)])

    @pl.when(c == 1)
    def _():
        pltpu.sync_copy(s_acc.at[pl.ds(s * RPT, RPT)],
                        s_out1.at[pl.ds(s * RPT, RPT)])


def _final_body(s0_ref, s1_ref, s2_ref, s3_ref, alpha_ref, hsum_ref, lw_ref,
                lb_ref, o_ref):
    p0 = s0_ref[...]
    S = jnp.concatenate(
        [p0[:, :FC], s1_ref[:, :FC], s2_ref[:, :FC], s3_ref[:, :FC]], axis=1)
    d = p0[:, FC:FC + 1]
    al = alpha_ref[...]
    t = jnp.exp(-jnp.abs(al))
    pos = al >= 0
    coef_s = jnp.where(pos, 1.0 - t, t - 1.0)
    coef_h = jnp.where(pos, t, 1.0)
    num = coef_s * S + coef_h * hsum_ref[...]
    den = coef_s * d + jnp.where(pos, float(N) * t, float(N))
    out = num / den
    y = lax.dot_general(out, lw_ref[...], (((1,), (1,)), ((), ())),
                        preferred_element_type=jnp.float32) + lb_ref[...]
    o_ref[...] = jnp.where(y > 0, y, jnp.exp(jnp.minimum(y, 0.0)) - 1.0)


_final = pl.pallas_call(
    _final_body,
    grid=(GRID,),
    in_specs=[pl.BlockSpec((RB, F), lambda i: (i, 0))] * 4 + [
        pl.BlockSpec((RB, 1), lambda i: (i, 0)),
        pl.BlockSpec((1, COUT), lambda i: (0, 0)),
        pl.BlockSpec((COUT, COUT), lambda i: (0, 0)),
        pl.BlockSpec((1, COUT), lambda i: (0, 0)),
    ],
    out_specs=pl.BlockSpec((RB, COUT), lambda i: (i, 0)),
    out_shape=jax.ShapeDtypeStruct((NP, COUT), jnp.float32),
)


def kernel(x, edge_index, W, att_w, lin_w, lin_b):
    row = edge_index[0].astype(jnp.int32)
    col = edge_index[1].astype(jnp.int32)
    key = row * N + col
    sk = jnp.sort(key)
    uniq = jnp.concatenate([jnp.ones((1,), jnp.bool_), sk[1:] != sk[:-1]])
    r_s = sk // N
    c_s = sk - r_s * N
    spread = jnp.arange(E, dtype=jnp.int32) % 32
    cg = jnp.where(uniq, c_s, N + spread)
    padspread = jnp.arange(EPAD - E, dtype=jnp.int32) % 32
    cgf = jnp.concatenate([cg, N + padspread])
    rsp = jnp.concatenate([r_s, N + 100 + padspread]).astype(jnp.int32)
    cgf = cgf.reshape(128, NBLK).T.reshape(-1)
    rsp = rsp.reshape(128, NBLK).T.reshape(-1)

    x_pad = jnp.zeros((NP, CIN), jnp.float32).at[:N].set(x)
    zrows = jnp.zeros((128, F), jnp.float32)

    h0, h1, h2, h3, alpha, hsum = _h_alpha(x_pad, W, att_w)
    hbm = lambda a: pltpu.with_memory_space_constraint(
        a, pltpu.MemorySpace.HBM)
    cgf, rsp = hbm(cgf), hbm(rsp)

    def body(carry, planes):
        ha, hb = planes
        sa, sb = _seg_sum(hbm(ha), hbm(hb), cgf, rsp, zrows)
        return carry, (sa, sb)

    _, (sa, sb) = lax.scan(
        body, 0, (jnp.stack([h0, h2]), jnp.stack([h1, h3])))
    out = _final(sa[0], sb[0], sa[1], sb[1], alpha, hsum, lin_w,
                 lin_b.reshape(1, COUT))
    return out[:N]

# --- scband reference (transcript-rebuilt; emitter-appended) ---
"""Pipeline reference for scband-transformer-conv1-85255100825818 (READ-ONLY COPY).

The authoritative reference and input builder live on the scoring server;
editing this copy changes nothing except your own understanding.
"""

import jax, jax.numpy as jnp
import numpy as np

N, E, CIN, COUT, HEADS = 10000, 320000, 128, 256, 1

def _xavier(key, shape):
    fan_out, fan_in = shape
    a = float(np.sqrt(6.0 / (fan_in + fan_out)))
    return jax.random.uniform(key, shape, minval=-a, maxval=a, dtype=jnp.float32)

def setup_inputs(seed: int = 0) -> dict:
    key = jax.random.key(seed)
    ks = jax.random.split(key, 6)
    x = jax.random.normal(ks[0], (N, CIN), dtype=jnp.float32)
    edge_index = jax.random.randint(ks[1], (2, E), 0, N)
    W = _xavier(ks[2], (COUT * HEADS, CIN))          # self.weight: Linear(CIN, COUT*HEADS, bias=False)
    att_w = _xavier(ks[3], (HEADS, COUT))            # self.att: Linear(COUT, HEADS, bias=False)
    lin_w = _xavier(ks[4], (COUT, CIN * 2))          # self.lin: Linear(2*CIN, COUT)
    bb = 1.0 / float(np.sqrt(CIN * 2))
    lin_b = jax.random.uniform(ks[5], (COUT,), minval=-bb, maxval=bb, dtype=jnp.float32)
    return {"x": x, "edge_index": edge_index, "W": W, "att_w": att_w, "lin_w": lin_w, "lin_b": lin_b}

def reference(x, edge_index, W, att_w, lin_w, lin_b):
    n = x.shape[0]
    # x = self.weight(x).view(-1, heads, out_channels)
    h = jnp.dot(x, W.T).reshape(n, HEADS, COUT)
    # dropout p=0.0 -> identity
    # alpha = (h * att(h).view(-1, heads, 1)).sum(-1); heads=1 so view is [N,1,1]
    a = jnp.dot(h, att_w.T).reshape(n, HEADS, 1)
    alpha = (h * a).sum(axis=-1)                      # [N, HEADS]
    alpha = jax.nn.leaky_relu(alpha, negative_slope=0.2)
    row = edge_index[0]
    col = edge_index[1]
    # SparseTensor(row, col, value=alpha[row]).to_dense() -> dense [N, N] (heads=1 squeezed)
    A = jnp.zeros((n, n), dtype=x.dtype).at[row, col].set(alpha[row, 0])
    # softmax over dim=1 (dense: zeros contribute exp(0))
    A = jax.nn.softmax(A, axis=1)
    # after softmax every entry is nonzero, so the coo re-sparsification is effectively dense matmul
    out = jnp.dot(A, h.reshape(n, HEADS * COUT))      # [N, HEADS*COUT]
    # dropout p=0.0 -> identity; lin: Linear(2*CIN, COUT); HEADS*COUT == 2*CIN
    out = jax.nn.elu(jnp.dot(out, lin_w.T) + lin_b)
    return out

if __name__ == "__main__":
    import jax
    _d = setup_inputs()
    print(jax.jit(kernel)(*tuple(_d.values())))

</pallas_src>

<mosaic_0001>
#map = affine_map<(d0, d1) -> (0, 0)>
#map1 = affine_map<(d0, d1) -> (0)>
module attributes {stable_mosaic.version = 14 : i64} {
  func.func @_seg_sum(%arg0: i32, %arg1: i32, %arg2: memref<10240x80xf32, #tpu.memory_space<hbm>>, %arg3: memref<10240x80xf32, #tpu.memory_space<hbm>>, %arg4: memref<321536xi32, #tpu.memory_space<hbm>>, %arg5: memref<321536xi32, #tpu.memory_space<hbm>>, %arg6: memref<128x80xf32, #tpu.memory_space<hbm>>, %arg7: memref<10240x80xf32, #tpu.memory_space<hbm>>, %arg8: memref<10240x80xf32, #tpu.memory_space<hbm>>, %arg9: memref<20096xi32, #tpu.memory_space<vmem>>, %arg10: memref<20096xi32, #tpu.memory_space<vmem>>, %arg11: memref<128x80xf32, #tpu.memory_space<vmem>>, %arg12: memref<128x80xf32, #tpu.memory_space<vmem>>, %arg13: memref<128x80xf32, #tpu.memory_space<vmem>>, %arg14: memref<10240x80xf32, #tpu.memory_space<vmem_shared>>, %arg15: memref<!tpu.dma_semaphore, #tpu.memory_space<semaphore_mem>>, %arg16: memref<!tpu.dma_semaphore, #tpu.memory_space<semaphore_mem>>) attributes {dimension_semantics = [#tpu.dimension_semantics<core_parallel>, #tpu.dimension_semantics<subcore_parallel>], iteration_bounds = array<i64: 2, 16>, scalar_prefetch = 0 : i64, scratch_operands = 8 : i64, tpu.core_type = #tpu.core_type<sc_vector_subcore>, window_params = [{transform_indices = #map}, {transform_indices = #map}, {transform_indices = #map1}, {transform_indices = #map1}, {transform_indices = #map}, {transform_indices = #map}, {transform_indices = #map}]} {
    "tpu.region"() ({
      %run_scoped3A = tpu.sem_alloc : memref<!tpu.dma_semaphore, #tpu.memory_space<semaphore_mem>>
      tpu.enqueue_dma source(%arg6 : memref<128x80xf32, #tpu.memory_space<hbm>>) target(%arg13 : memref<128x80xf32, #tpu.memory_space<vmem>>) target_semaphore(%run_scoped3A : memref<!tpu.dma_semaphore, #tpu.memory_space<semaphore_mem>>)
      tpu.wait_dma2 semaphore(%run_scoped3A : memref<!tpu.dma_semaphore, #tpu.memory_space<semaphore_mem>>) src(%arg6 : memref<128x80xf32, #tpu.memory_space<hbm>>) dst(%arg13 : memref<128x80xf32, #tpu.memory_space<vmem>>)
      tpu.yield
    }) : () -> ()
    %mul3A = arith.constant 640 : i32
    %mul3A_0 = arith.muli %arg1, %mul3A : i32
    %add3A = arith.constant 0 : i32
    %add3A_1 = arith.addi %mul3A_0, %add3A : i32
    "tpu.region"() ({
      %run_scoped3A = tpu.sem_alloc : memref<!tpu.dma_semaphore, #tpu.memory_space<semaphore_mem>>
      %dma_start3A = arith.constant 0 : i32
      %dma_start3A_44 = tpu.memref_slice %arg14[%add3A_1, %dma_start3A] : memref<10240x80xf32, #tpu.memory_space<vmem_shared>> -> memref<128x80xf32, #tpu.memory_space<vmem_shared>>
      %dma_start3A_45 = arith.constant 0 : i32
      %dma_start3A_46 = tpu.memref_slice %arg14[%add3A_1, %dma_start3A_45] : memref<10240x80xf32, #tpu.memory_space<vmem_shared>> -> memref<128x80xf32, #tpu.memory_space<vmem_shared>>
      tpu.enqueue_dma source(%arg13 : memref<128x80xf32, #tpu.memory_space<vmem>>) target(%dma_start3A_46 : memref<128x80xf32, #tpu.memory_space<vmem_shared>>) target_semaphore(%run_scoped3A : memref<!tpu.dma_semaphore, #tpu.memory_space<semaphore_mem>>)
      %dma_wait3A = arith.constant 0 : i32
      %dma_wait3A_47 = tpu.memref_slice %arg14[%add3A_1, %dma_wait3A] : memref<10240x80xf32, #tpu.memory_space<vmem_shared>> -> memref<128x80xf32, #tpu.memory_space<vmem_shared>>
      %dma_wait3A_48 = arith.constant 0 : i32
      %dma_wait3A_49 = tpu.memref_slice %arg14[%add3A_1, %dma_wait3A_48] : memref<10240x80xf32, #tpu.memory_space<vmem_shared>> -> memref<128x80xf32, #tpu.memory_space<vmem_shared>>
      tpu.wait_dma2 semaphore(%run_scoped3A : memref<!tpu.dma_semaphore, #tpu.memory_space<semaphore_mem>>) src(%arg13 : memref<128x80xf32, #tpu.memory_space<vmem>>) dst(%dma_wait3A_49 : memref<128x80xf32, #tpu.memory_space<vmem_shared>>)
      tpu.yield
    }) : () -> ()
    %mul3A_2 = arith.constant 640 : i32
    %mul3A_3 = arith.muli %arg1, %mul3A_2 : i32
    %add3A_4 = arith.constant 128 : i32
    %add3A_5 = arith.addi %mul3A_3, %add3A_4 : i32
    "tpu.region"() ({
      %run_scoped3A = tpu.sem_alloc : memref<!tpu.dma_semaphore, #tpu.memory_space<semaphore_mem>>
      %dma_start3A = arith.constant 0 : i32
      %dma_start3A_44 = tpu.memref_slice %arg14[%add3A_5, %dma_start3A] : memref<10240x80xf32, #tpu.memory_space<vmem_shared>> -> memref<128x80xf32, #tpu.memory_space<vmem_shared>>
      %dma_start3A_45 = arith.constant 0 : i32
      %dma_start3A_46 = tpu.memref_slice %arg14[%add3A_5, %dma_start3A_45] : memref<10240x80xf32, #tpu.memory_space<vmem_shared>> -> memref<128x80xf32, #tpu.memory_space<vmem_shared>>
      tpu.enqueue_dma source(%arg13 : memref<128x80xf32, #tpu.memory_space<vmem>>) target(%dma_start3A_46 : memref<128x80xf32, #tpu.memory_space<vmem_shared>>) target_semaphore(%run_scoped3A : memref<!tpu.dma_semaphore, #tpu.memory_space<semaphore_mem>>)
      %dma_wait3A = arith.constant 0 : i32
      %dma_wait3A_47 = tpu.memref_slice %arg14[%add3A_5, %dma_wait3A] : memref<10240x80xf32, #tpu.memory_space<vmem_shared>> -> memref<128x80xf32, #tpu.memory_space<vmem_shared>>
      %dma_wait3A_48 = arith.constant 0 : i32
      %dma_wait3A_49 = tpu.memref_slice %arg14[%add3A_5, %dma_wait3A_48] : memref<10240x80xf32, #tpu.memory_space<vmem_shared>> -> memref<128x80xf32, #tpu.memory_space<vmem_shared>>
      tpu.wait_dma2 semaphore(%run_scoped3A : memref<!tpu.dma_semaphore, #tpu.memory_space<semaphore_mem>>) src(%arg13 : memref<128x80xf32, #tpu.memory_space<vmem>>) dst(%dma_wait3A_49 : memref<128x80xf32, #tpu.memory_space<vmem_shared>>)
      tpu.yield
    }) : () -> ()
    %mul3A_6 = arith.constant 640 : i32
    %mul3A_7 = arith.muli %arg1, %mul3A_6 : i32
    %add3A_8 = arith.constant 256 : i32
    %add3A_9 = arith.addi %mul3A_7, %add3A_8 : i32
    "tpu.region"() ({
      %run_scoped3A = tpu.sem_alloc : memref<!tpu.dma_semaphore, #tpu.memory_space<semaphore_mem>>
      %dma_start3A = arith.constant 0 : i32
      %dma_start3A_44 = tpu.memref_slice %arg14[%add3A_9, %dma_start3A] : memref<10240x80xf32, #tpu.memory_space<vmem_shared>> -> memref<128x80xf32, #tpu.memory_space<vmem_shared>>
      %dma_start3A_45 = arith.constant 0 : i32
      %dma_start3A_46 = tpu.memref_slice %arg14[%add3A_9, %dma_start3A_45] : memref<10240x80xf32, #tpu.memory_space<vmem_shared>> -> memref<128x80xf32, #tpu.memory_space<vmem_shared>>
      tpu.enqueue_dma source(%arg13 : memref<128x80xf32, #tpu.memory_space<vmem>>) target(%dma_start3A_46 : memref<128x80xf32, #tpu.memory_space<vmem_shared>>) target_semaphore(%run_scoped3A : memref<!tpu.dma_semaphore, #tpu.memory_space<semaphore_mem>>)
      %dma_wait3A = arith.constant 0 : i32
      %dma_wait3A_47 = tpu.memref_slice %arg14[%add3A_9, %dma_wait3A] : memref<10240x80xf32, #tpu.memory_space<vmem_shared>> -> memref<128x80xf32, #tpu.memory_space<vmem_shared>>
      %dma_wait3A_48 = arith.constant 0 : i32
      %dma_wait3A_49 = tpu.memref_slice %arg14[%add3A_9, %dma_wait3A_48] : memref<10240x80xf32, #tpu.memory_space<vmem_shared>> -> memref<128x80xf32, #tpu.memory_space<vmem_shared>>
      tpu.wait_dma2 semaphore(%run_scoped3A : memref<!tpu.dma_semaphore, #tpu.memory_space<semaphore_mem>>) src(%arg13 : memref<128x80xf32, #tpu.memory_space<vmem>>) dst(%dma_wait3A_49 : memref<128x80xf32, #tpu.memory_space<vmem_shared>>)
      tpu.yield
    }) : () -> ()
    %mul3A_10 = arith.constant 640 : i32
    %mul3A_11 = arith.muli %arg1, %mul3A_10 : i32
    %add3A_12 = arith.constant 384 : i32
    %add3A_13 = arith.addi %mul3A_11, %add3A_12 : i32
    "tpu.region"() ({
      %run_scoped3A = tpu.sem_alloc : memref<!tpu.dma_semaphore, #tpu.memory_space<semaphore_mem>>
      %dma_start3A = arith.constant 0 : i32
      %dma_start3A_44 = tpu.memref_slice %arg14[%add3A_13, %dma_start3A] : memref<10240x80xf32, #tpu.memory_space<vmem_shared>> -> memref<128x80xf32, #tpu.memory_space<vmem_shared>>
      %dma_start3A_45 = arith.constant 0 : i32
      %dma_start3A_46 = tpu.memref_slice %arg14[%add3A_13, %dma_start3A_45] : memref<10240x80xf32, #tpu.memory_space<vmem_shared>> -> memref<128x80xf32, #tpu.memory_space<vmem_shared>>
      tpu.enqueue_dma source(%arg13 : memref<128x80xf32, #tpu.memory_space<vmem>>) target(%dma_start3A_46 : memref<128x80xf32, #tpu.memory_space<vmem_shared>>) target_semaphore(%run_scoped3A : memref<!tpu.dma_semaphore, #tpu.memory_space<semaphore_mem>>)
      %dma_wait3A = arith.constant 0 : i32
      %dma_wait3A_47 = tpu.memref_slice %arg14[%add3A_13, %dma_wait3A] : memref<10240x80xf32, #tpu.memory_space<vmem_shared>> -> memref<128x80xf32, #tpu.memory_space<vmem_shared>>
      %dma_wait3A_48 = arith.constant 0 : i32
      %dma_wait3A_49 = tpu.memref_slice %arg14[%add3A_13, %dma_wait3A_48] : memref<10240x80xf32, #tpu.memory_space<vmem_shared>> -> memref<128x80xf32, #tpu.memory_space<vmem_shared>>
      tpu.wait_dma2 semaphore(%run_scoped3A : memref<!tpu.dma_semaphore, #tpu.memory_space<semaphore_mem>>) src(%arg13 : memref<128x80xf32, #tpu.memory_space<vmem>>) dst(%dma_wait3A_49 : memref<128x80xf32, #tpu.memory_space<vmem_shared>>)
      tpu.yield
    }) : () -> ()
    %mul3A_14 = arith.constant 640 : i32
    %mul3A_15 = arith.muli %arg1, %mul3A_14 : i32
    %add3A_16 = arith.constant 512 : i32
    %add3A_17 = arith.addi %mul3A_15, %add3A_16 : i32
    "tpu.region"() ({
      %run_scoped3A = tpu.sem_alloc : memref<!tpu.dma_semaphore, #tpu.memory_space<semaphore_mem>>
      %dma_start3A = arith.constant 0 : i32
      %dma_start3A_44 = tpu.memref_slice %arg14[%add3A_17, %dma_start3A] : memref<10240x80xf32, #tpu.memory_space<vmem_shared>> -> memref<128x80xf32, #tpu.memory_space<vmem_shared>>
      %dma_start3A_45 = arith.constant 0 : i32
      %dma_start3A_46 = tpu.memref_slice %arg14[%add3A_17, %dma_start3A_45] : memref<10240x80xf32, #tpu.memory_space<vmem_shared>> -> memref<128x80xf32, #tpu.memory_space<vmem_shared>>
      tpu.enqueue_dma source(%arg13 : memref<128x80xf32, #tpu.memory_space<vmem>>) target(%dma_start3A_46 : memref<128x80xf32, #tpu.memory_space<vmem_shared>>) target_semaphore(%run_scoped3A : memref<!tpu.dma_semaphore, #tpu.memory_space<semaphore_mem>>)
      %dma_wait3A = arith.constant 0 : i32
      %dma_wait3A_47 = tpu.memref_slice %arg14[%add3A_17, %dma_wait3A] : memref<10240x80xf32, #tpu.memory_space<vmem_shared>> -> memref<128x80xf32, #tpu.memory_space<vmem_shared>>
      %dma_wait3A_48 = arith.constant 0 : i32
      %dma_wait3A_49 = tpu.memref_slice %arg14[%add3A_17, %dma_wait3A_48] : memref<10240x80xf32, #tpu.memory_space<vmem_shared>> -> memref<128x80xf32, #tpu.memory_space<vmem_shared>>
      tpu.wait_dma2 semaphore(%run_scoped3A : memref<!tpu.dma_semaphore, #tpu.memory_space<semaphore_mem>>) src(%arg13 : memref<128x80xf32, #tpu.memory_space<vmem>>) dst(%dma_wait3A_49 : memref<128x80xf32, #tpu.memory_space<vmem_shared>>)
      tpu.yield
    }) : () -> ()
    %mul3A_18 = arith.constant 157 : i32
    %mul3A_19 = arith.muli %arg1, %mul3A_18 : i32
    %mul3A_20 = arith.constant 128 : i32
    %mul3A_21 = arith.muli %mul3A_19, %mul3A_20 : i32
    "tpu.region"() ({
      %run_scoped3A = tpu.sem_alloc : memref<!tpu.dma_semaphore, #tpu.memory_space<semaphore_mem>>
      %dma_start3A = tpu.memref_slice %arg4[%mul3A_21] : memref<321536xi32, #tpu.memory_space<hbm>> -> memref<20096xi32, #tpu.memory_space<hbm>>
      %dma_start3A_44 = tpu.memref_slice %arg4[%mul3A_21] : memref<321536xi32, #tpu.memory_space<hbm>> -> memref<20096xi32, #tpu.memory_space<hbm>>
      tpu.enqueue_dma source(%dma_start3A_44 : memref<20096xi32, #tpu.memory_space<hbm>>) target(%arg9 : memref<20096xi32, #tpu.memory_space<vmem>>) target_semaphore(%run_scoped3A : memref<!tpu.dma_semaphore, #tpu.memory_space<semaphore_mem>>)
      %dma_wait3A = tpu.memref_slice %arg4[%mul3A_21] : memref<321536xi32, #tpu.memory_space<hbm>> -> memref<20096xi32, #tpu.memory_space<hbm>>
      %dma_wait3A_45 = tpu.memref_slice %arg4[%mul3A_21] : memref<321536xi32, #tpu.memory_space<hbm>> -> memref<20096xi32, #tpu.memory_space<hbm>>
      tpu.wait_dma2 semaphore(%run_scoped3A : memref<!tpu.dma_semaphore, #tpu.memory_space<semaphore_mem>>) src(%dma_wait3A_45 : memref<20096xi32, #tpu.memory_space<hbm>>) dst(%arg9 : memref<20096xi32, #tpu.memory_space<vmem>>)
      tpu.yield
    }) : () -> ()
    %mul3A_22 = arith.constant 157 : i32
    %mul3A_23 = arith.muli %arg1, %mul3A_22 : i32
    %mul3A_24 = arith.constant 128 : i32
    %mul3A_25 = arith.muli %mul3A_23, %mul3A_24 : i32
    "tpu.region"() ({
      %run_scoped3A = tpu.sem_alloc : memref<!tpu.dma_semaphore, #tpu.memory_space<semaphore_mem>>
      %dma_start3A = tpu.memref_slice %arg5[%mul3A_25] : memref<321536xi32, #tpu.memory_space<hbm>> -> memref<20096xi32, #tpu.memory_space<hbm>>
      %dma_start3A_44 = tpu.memref_slice %arg5[%mul3A_25] : memref<321536xi32, #tpu.memory_space<hbm>> -> memref<20096xi32, #tpu.memory_space<hbm>>
      tpu.enqueue_dma source(%dma_start3A_44 : memref<20096xi32, #tpu.memory_space<hbm>>) target(%arg10 : memref<20096xi32, #tpu.memory_space<vmem>>) target_semaphore(%run_scoped3A : memref<!tpu.dma_semaphore, #tpu.memory_space<semaphore_mem>>)
      %dma_wait3A = tpu.memref_slice %arg5[%mul3A_25] : memref<321536xi32, #tpu.memory_space<hbm>> -> memref<20096xi32, #tpu.memory_space<hbm>>
      %dma_wait3A_45 = tpu.memref_slice %arg5[%mul3A_25] : memref<321536xi32, #tpu.memory_space<hbm>> -> memref<20096xi32, #tpu.memory_space<hbm>>
      tpu.wait_dma2 semaphore(%run_scoped3A : memref<!tpu.dma_semaphore, #tpu.memory_space<semaphore_mem>>) src(%dma_wait3A_45 : memref<20096xi32, #tpu.memory_space<hbm>>) dst(%arg10 : memref<20096xi32, #tpu.memory_space<vmem>>)
      tpu.yield
    }) : () -> ()
    %barrier3A = arith.constant 0 : index
    tpu.barrier barrier_id(%barrier3A)
    %eq3A = arith.constant 0 : i32
    %eq3A_26 = arith.cmpi eq, %arg0, %eq3A : i32
    %convert_element_type3A = arith.extui %eq3A_26 : i1 to i32
    %cond3A = arith.constant 0 : i32
    %cond3A_27 = arith.cmpi ne, %convert_element_type3A, %cond3A : i32
    scf.if %cond3A_27 {
      %dma_start3A = arith.constant 0 : i32
      %dma_start3A_44 = tpu.memref_slice %arg9[%dma_start3A] : memref<20096xi32, #tpu.memory_space<vmem>> -> memref<128xi32, #tpu.memory_space<vmem>>
      %dma_start3A_45 = arith.constant 0 : i32
      %dma_start3A_46 = arith.constant 0 : i32
      %dma_start3A_47 = tpu.memref_slice %arg2[%dma_start3A_45, %dma_start3A_46] : memref<10240x80xf32, #tpu.memory_space<hbm>> -> memref<10240x80xf32, #tpu.memory_space<hbm>>
      tpu.enqueue_indirect_dma source(%dma_start3A_47 : memref<10240x80xf32, #tpu.memory_space<hbm>>) target(%arg11 : memref<128x80xf32, #tpu.memory_space<vmem>>) offsets(%dma_start3A_44 : memref<128xi32, #tpu.memory_space<vmem>>) semaphore(%arg15 : memref<!tpu.dma_semaphore, #tpu.memory_space<semaphore_mem>>)
      %scan3A = arith.constant 0 : i32
      %scan3A_48 = arith.constant 0 : i32
      %scan3A_49 = arith.constant 78 : i32
      %scan3A_50 = arith.addi %scan3A_48, %scan3A_49 : i32
      %scan3A_51 = arith.constant 1 : i32
      scf.for %scan3A_53 = %scan3A_48 to %scan3A_50 step %scan3A_51  : i32 {
        %mul3A_54 = arith.constant 2 : i32
        %mul3A_55 = arith.muli %mul3A_54, %scan3A_53 : i32
        tpu.wait_dma2 semaphore(%arg15 : memref<!tpu.dma_semaphore, #tpu.memory_space<semaphore_mem>>) src(%arg6 : memref<128x80xf32, #tpu.memory_space<hbm>>) dst(%arg11 : memref<128x80xf32, #tpu.memory_space<vmem>>)
        %add3A_56 = arith.constant 1 : i32
        %add3A_57 = arith.addi %mul3A_55, %add3A_56 : i32
        %mul3A_58 = arith.constant 128 : i32
        %mul3A_59 = arith.muli %add3A_57, %mul3A_58 : i32
        %dma_start3A_60 = tpu.memref_slice %arg9[%mul3A_59] : memref<20096xi32, #tpu.memory_space<vmem>> -> memref<128xi32, #tpu.memory_space<vmem>>
        %dma_start3A_61 = arith.constant 0 : i32
        %dma_start3A_62 = arith.constant 0 : i32
        %dma_start3A_63 = tpu.memref_slice %arg2[%dma_start3A_61, %dma_start3A_62] : memref<10240x80xf32, #tpu.memory_space<hbm>> -> memref<10240x80xf32, #tpu.memory_space<hbm>>
        tpu.enqueue_indirect_dma source(%dma_start3A_63 : memref<10240x80xf32, #tpu.memory_space<hbm>>) target(%arg12 : memref<128x80xf32, #tpu.memory_space<vmem>>) offsets(%dma_start3A_60 : memref<128xi32, #tpu.memory_space<vmem>>) semaphore(%arg16 : memref<!tpu.dma_semaphore, #tpu.memory_space<semaphore_mem>>)
        %mul3A_64 = arith.constant 128 : i32
        %mul3A_65 = arith.muli %mul3A_55, %mul3A_64 : i32
        "tpu.region"() ({
          %run_scoped3A = tpu.sem_alloc : memref<!tpu.dma_semaphore, #tpu.memory_space<semaphore_mem>>
          %dma_start3A_78 = tpu.memref_slice %arg10[%mul3A_65] : memref<20096xi32, #tpu.memory_space<vmem>> -> memref<128xi32, #tpu.memory_space<vmem>>
          %dma_start3A_79 = arith.constant 0 : i32
          %dma_start3A_80 = arith.constant 0 : i32
          %dma_start3A_81 = tpu.memref_slice %arg14[%dma_start3A_79, %dma_start3A_80] : memref<10240x80xf32, #tpu.memory_space<vmem_shared>> -> memref<10240x80xf32, #tpu.memory_space<vmem_shared>>
          tpu.enqueue_indirect_dma source(%arg11 : memref<128x80xf32, #tpu.memory_space<vmem>>) target(%dma_start3A_81 : memref<10240x80xf32, #tpu.memory_space<vmem_shared>>) offsets(%dma_start3A_78 : memref<128xi32, #tpu.memory_space<vmem>>) semaphore(%run_scoped3A : memref<!tpu.dma_semaphore, #tpu.memory_space<semaphore_mem>>) {add = true}
          %dma_wait3A = tpu.memref_slice %arg10[%mul3A_65] : memref<20096xi32, #tpu.memory_space<vmem>> -> memref<128xi32, #tpu.memory_space<vmem>>
          %dma_wait3A_82 = arith.constant 0 : i32
          %dma_wait3A_83 = arith.constant 0 : i32
          %dma_wait3A_84 = tpu.memref_slice %arg14[%dma_wait3A_82, %dma_wait3A_83] : memref<10240x80xf32, #tpu.memory_space<vmem_shared>> -> memref<10240x80xf32, #tpu.memory_space<vmem_shared>>
          tpu.wait_indirect_dma semaphore(%run_scoped3A : memref<!tpu.dma_semaphore, #tpu.memory_space<semaphore_mem>>) src(%arg11 : memref<128x80xf32, #tpu.memory_space<vmem>>) dst(%dma_wait3A_84 : memref<10240x80xf32, #tpu.memory_space<vmem_shared>>)
          tpu.yield
        }) : () -> ()
        tpu.wait_dma2 semaphore(%arg16 : memref<!tpu.dma_semaphore, #tpu.memory_space<semaphore_mem>>) src(%arg6 : memref<128x80xf32, #tpu.memory_space<hbm>>) dst(%arg12 : memref<128x80xf32, #tpu.memory_space<vmem>>)
        %add3A_66 = arith.constant 2 : i32
        %add3A_67 = arith.addi %mul3A_55, %add3A_66 : i32
        %mul3A_68 = arith.constant 128 : i32
        %mul3A_69 = arith.muli %add3A_67, %mul3A_68 : i32
        %dma_start3A_70 = tpu.memref_slice %arg9[%mul3A_69] : memref<20096xi32, #tpu.memory_space<vmem>> -> memref<128xi32, #tpu.memory_space<vmem>>
        %dma_start3A_71 = arith.constant 0 : i32
        %dma_start3A_72 = arith.constant 0 : i32
        %dma_start3A_73 = tpu.memref_slice %arg2[%dma_start3A_71, %dma_start3A_72] : memref<10240x80xf32, #tpu.memory_space<hbm>> -> memref<10240x80xf32, #tpu.memory_space<hbm>>
        tpu.enqueue_indirect_dma source(%dma_start3A_73 : memref<10240x80xf32, #tpu.memory_space<hbm>>) target(%arg11 : memref<128x80xf32, #tpu.memory_space<vmem>>) offsets(%dma_start3A_70 : memref<128xi32, #tpu.memory_space<vmem>>) semaphore(%arg15 : memref<!tpu.dma_semaphore, #tpu.memory_space<semaphore_mem>>)
        %add3A_74 = arith.constant 1 : i32
        %add3A_75 = arith.addi %mul3A_55, %add3A_74 : i32
        %mul3A_76 = arith.constant 128 : i32
        %mul3A_77 = arith.muli %add3A_75, %mul3A_76 : i32
        "tpu.region"() ({
          %run_scoped3A = tpu.sem_alloc : memref<!tpu.dma_semaphore, #tpu.memory_space<semaphore_mem>>
          %dma_start3A_78 = tpu.memref_slice %arg10[%mul3A_77] : memref<20096xi32, #tpu.memory_space<vmem>> -> memref<128xi32, #tpu.memory_space<vmem>>
          %dma_start3A_79 = arith.constant 0 : i32
          %dma_start3A_80 = arith.constant 0 : i32
          %dma_start3A_81 = tpu.memref_slice %arg14[%dma_start3A_79, %dma_start3A_80] : memref<10240x80xf32, #tpu.memory_space<vmem_shared>> -> memref<10240x80xf32, #tpu.memory_space<vmem_shared>>
          tpu.enqueue_indirect_dma source(%arg12 : memref<128x80xf32, #tpu.memory_space<vmem>>) target(%dma_start3A_81 : memref<10240x80xf32, #tpu.memory_space<vmem_shared>>) offsets(%dma_start3A_78 : memref<128xi32, #tpu.memory_space<vmem>>) semaphore(%run_scoped3A : memref<!tpu.dma_semaphore, #tpu.memory_space<semaphore_mem>>) {add = true}
          %dma_wait3A = tpu.memref_slice %arg10[%mul3A_77] : memref<20096xi32, #tpu.memory_space<vmem>> -> memref<128xi32, #tpu.memory_space<vmem>>
          %dma_wait3A_82 = arith.constant 0 : i32
          %dma_wait3A_83 = arith.constant 0 : i32
          %dma_wait3A_84 = tpu.memref_slice %arg14[%dma_wait3A_82, %dma_wait3A_83] : memref<10240x80xf32, #tpu.memory_space<vmem_shared>> -> memref<10240x80xf32, #tpu.memory_space<vmem_shared>>
          tpu.wait_indirect_dma semaphore(%run_scoped3A : memref<!tpu.dma_semaphore, #tpu.memory_space<semaphore_mem>>) src(%arg12 : memref<128x80xf32, #tpu.memory_space<vmem>>) dst(%dma_wait3A_84 : memref<10240x80xf32, #tpu.memory_space<vmem_shared>>)
          tpu.yield
        }) : () -> ()
      }
      %scan3A_52 = arith.constant 78 : i32
      tpu.wait_dma2 semaphore(%arg15 : memref<!tpu.dma_semaphore, #tpu.memory_space<semaphore_mem>>) src(%arg6 : memref<128x80xf32, #tpu.memory_space<hbm>>) dst(%arg11 : memref<128x80xf32, #tpu.memory_space<vmem>>)
      "tpu.region"() ({
        %run_scoped3A = tpu.sem_alloc : memref<!tpu.dma_semaphore, #tpu.memory_space<semaphore_mem>>
        %dma_start3A_53 = arith.constant 19968 : i32
        %dma_start3A_54 = tpu.memref_slice %arg10[%dma_start3A_53] : memref<20096xi32, #tpu.memory_space<vmem>> -> memref<128xi32, #tpu.memory_space<vmem>>
        %dma_start3A_55 = arith.constant 0 : i32
        %dma_start3A_56 = arith.constant 0 : i32
        %dma_start3A_57 = tpu.memref_slice %arg14[%dma_start3A_55, %dma_start3A_56] : memref<10240x80xf32, #tpu.memory_space<vmem_shared>> -> memref<10240x80xf32, #tpu.memory_space<vmem_shared>>
        tpu.enqueue_indirect_dma source(%arg11 : memref<128x80xf32, #tpu.memory_space<vmem>>) target(%dma_start3A_57 : memref<10240x80xf32, #tpu.memory_space<vmem_shared>>) offsets(%dma_start3A_54 : memref<128xi32, #tpu.memory_space<vmem>>) semaphore(%run_scoped3A : memref<!tpu.dma_semaphore, #tpu.memory_space<semaphore_mem>>) {add = true}
        %dma_wait3A = arith.constant 19968 : i32
        %dma_wait3A_58 = tpu.memref_slice %arg10[%dma_wait3A] : memref<20096xi32, #tpu.memory_space<vmem>> -> memref<128xi32, #tpu.memory_space<vmem>>
        %dma_wait3A_59 = arith.constant 0 : i32
        %dma_wait3A_60 = arith.constant 0 : i32
        %dma_wait3A_61 = tpu.memref_slice %arg14[%dma_wait3A_59, %dma_wait3A_60] : memref<10240x80xf32, #tpu.memory_space<vmem_shared>> -> memref<10240x80xf32, #tpu.memory_space<vmem_shared>>
        tpu.wait_indirect_dma semaphore(%run_scoped3A : memref<!tpu.dma_semaphore, #tpu.memory_space<semaphore_mem>>) src(%arg11 : memref<128x80xf32, #tpu.memory_space<vmem>>) dst(%dma_wait3A_61 : memref<10240x80xf32, #tpu.memory_space<vmem_shared>>)
        tpu.yield
      }) : () -> ()
    } else {
    }
    %eq3A_28 = arith.constant 1 : i32
    %eq3A_29 = arith.cmpi eq, %arg0, %eq3A_28 : i32
    %convert_element_type3A_30 = arith.extui %eq3A_29 : i1 to i32
    %cond3A_31 = arith.constant 0 : i32
    %cond3A_32 = arith.cmpi ne, %convert_element_type3A_30, %cond3A_31 : i32
    scf.if %cond3A_32 {
      %dma_start3A = arith.constant 0 : i32
      %dma_start3A_44 = tpu.memref_slice %arg9[%dma_start3A] : memref<20096xi32, #tpu.memory_space<vmem>> -> memref<128xi32, #tpu.memory_space<vmem>>
      %dma_start3A_45 = arith.constant 0 : i32
      %dma_start3A_46 = arith.constant 0 : i32
      %dma_start3A_47 = tpu.memref_slice %arg3[%dma_start3A_45, %dma_start3A_46] : memref<10240x80xf32, #tpu.memory_space<hbm>> -> memref<10240x80xf32, #tpu.memory_space<hbm>>
      tpu.enqueue_indirect_dma source(%dma_start3A_47 : memref<10240x80xf32, #tpu.memory_space<hbm>>) target(%arg11 : memref<128x80xf32, #tpu.memory_space<vmem>>) offsets(%dma_start3A_44 : memref<128xi32, #tpu.memory_space<vmem>>) semaphore(%arg15 : memref<!tpu.dma_semaphore, #tpu.memory_space<semaphore_mem>>)
      %scan3A = arith.constant 0 : i32
      %scan3A_48 = arith.constant 0 : i32
      %scan3A_49 = arith.constant 78 : i32
      %scan3A_50 = arith.addi %scan3A_48, %scan3A_49 : i32
      %scan3A_51 = arith.constant 1 : i32
      scf.for %scan3A_53 = %scan3A_48 to %scan3A_50 step %scan3A_51  : i32 {
        %mul3A_54 = arith.constant 2 : i32
        %mul3A_55 = arith.muli %mul3A_54, %scan3A_53 : i32
        tpu.wait_dma2 semaphore(%arg15 : memref<!tpu.dma_semaphore, #tpu.memory_space<semaphore_mem>>) src(%arg6 : memref<128x80xf32, #tpu.memory_space<hbm>>) dst(%arg11 : memref<128x80xf32, #tpu.memory_space<vmem>>)
        %add3A_56 = arith.constant 1 : i32
        %add3A_57 = arith.addi %mul3A_55, %add3A_56 : i32
        %mul3A_58 = arith.constant 128 : i32
        %mul3A_59 = arith.muli %add3A_57, %mul3A_58 : i32
        %dma_start3A_60 = tpu.memref_slice %arg9[%mul3A_59] : memref<20096xi32, #tpu.memory_space<vmem>> -> memref<128xi32, #tpu.memory_space<vmem>>
        %dma_start3A_61 = arith.constant 0 : i32
        %dma_start3A_62 = arith.constant 0 : i32
        %dma_start3A_63 = tpu.memref_slice %arg3[%dma_start3A_61, %dma_start3A_62] : memref<10240x80xf32, #tpu.memory_space<hbm>> -> memref<10240x80xf32, #tpu.memory_space<hbm>>
        tpu.enqueue_indirect_dma source(%dma_start3A_63 : memref<10240x80xf32, #tpu.memory_space<hbm>>) target(%arg12 : memref<128x80xf32, #tpu.memory_space<vmem>>) offsets(%dma_start3A_60 : memref<128xi32, #tpu.memory_space<vmem>>) semaphore(%arg16 : memref<!tpu.dma_semaphore, #tpu.memory_space<semaphore_mem>>)
        %mul3A_64 = arith.constant 128 : i32
        %mul3A_65 = arith.muli %mul3A_55, %mul3A_64 : i32
        "tpu.region"() ({
          %run_scoped3A = tpu.sem_alloc : memref<!tpu.dma_semaphore, #tpu.memory_space<semaphore_mem>>
          %dma_start3A_78 = tpu.memref_slice %arg10[%mul3A_65] : memref<20096xi32, #tpu.memory_space<vmem>> -> memref<128xi32, #tpu.memory_space<vmem>>
          %dma_start3A_79 = arith.constant 0 : i32
          %dma_start3A_80 = arith.constant 0 : i32
          %dma_start3A_81 = tpu.memref_slice %arg14[%dma_start3A_79, %dma_start3A_80] : memref<10240x80xf32, #tpu.memory_space<vmem_shared>> -> memref<10240x80xf32, #tpu.memory_space<vmem_shared>>
          tpu.enqueue_indirect_dma source(%arg11 : memref<128x80xf32, #tpu.memory_space<vmem>>) target(%dma_start3A_81 : memref<10240x80xf32, #tpu.memory_space<vmem_shared>>) offsets(%dma_start3A_78 : memref<128xi32, #tpu.memory_space<vmem>>) semaphore(%run_scoped3A : memref<!tpu.dma_semaphore, #tpu.memory_space<semaphore_mem>>) {add = true}
          %dma_wait3A = tpu.memref_slice %arg10[%mul3A_65] : memref<20096xi32, #tpu.memory_space<vmem>> -> memref<128xi32, #tpu.memory_space<vmem>>
          %dma_wait3A_82 = arith.constant 0 : i32
          %dma_wait3A_83 = arith.constant 0 : i32
          %dma_wait3A_84 = tpu.memref_slice %arg14[%dma_wait3A_82, %dma_wait3A_83] : memref<10240x80xf32, #tpu.memory_space<vmem_shared>> -> memref<10240x80xf32, #tpu.memory_space<vmem_shared>>
          tpu.wait_indirect_dma semaphore(%run_scoped3A : memref<!tpu.dma_semaphore, #tpu.memory_space<semaphore_mem>>) src(%arg11 : memref<128x80xf32, #tpu.memory_space<vmem>>) dst(%dma_wait3A_84 : memref<10240x80xf32, #tpu.memory_space<vmem_shared>>)
          tpu.yield
        }) : () -> ()
        tpu.wait_dma2 semaphore(%arg16 : memref<!tpu.dma_semaphore, #tpu.memory_space<semaphore_mem>>) src(%arg6 : memref<128x80xf32, #tpu.memory_space<hbm>>) dst(%arg12 : memref<128x80xf32, #tpu.memory_space<vmem>>)
        %add3A_66 = arith.constant 2 : i32
        %add3A_67 = arith.addi %mul3A_55, %add3A_66 : i32
        %mul3A_68 = arith.constant 128 : i32
        %mul3A_69 = arith.muli %add3A_67, %mul3A_68 : i32
        %dma_start3A_70 = tpu.memref_slice %arg9[%mul3A_69] : memref<20096xi32, #tpu.memory_space<vmem>> -> memref<128xi32, #tpu.memory_space<vmem>>
        %dma_start3A_71 = arith.constant 0 : i32
        %dma_start3A_72 = arith.constant 0 : i32
        %dma_start3A_73 = tpu.memref_slice %arg3[%dma_start3A_71, %dma_start3A_72] : memref<10240x80xf32, #tpu.memory_space<hbm>> -> memref<10240x80xf32, #tpu.memory_space<hbm>>
        tpu.enqueue_indirect_dma source(%dma_start3A_73 : memref<10240x80xf32, #tpu.memory_space<hbm>>) target(%arg11 : memref<128x80xf32, #tpu.memory_space<vmem>>) offsets(%dma_start3A_70 : memref<128xi32, #tpu.memory_space<vmem>>) semaphore(%arg15 : memref<!tpu.dma_semaphore, #tpu.memory_space<semaphore_mem>>)
        %add3A_74 = arith.constant 1 : i32
        %add3A_75 = arith.addi %mul3A_55, %add3A_74 : i32
        %mul3A_76 = arith.constant 128 : i32
        %mul3A_77 = arith.muli %add3A_75, %mul3A_76 : i32
        "tpu.region"() ({
          %run_scoped3A = tpu.sem_alloc : memref<!tpu.dma_semaphore, #tpu.memory_space<semaphore_mem>>
          %dma_start3A_78 = tpu.memref_slice %arg10[%mul3A_77] : memref<20096xi32, #tpu.memory_space<vmem>> -> memref<128xi32, #tpu.memory_space<vmem>>
          %dma_start3A_79 = arith.constant 0 : i32
          %dma_start3A_80 = arith.constant 0 : i32
          %dma_start3A_81 = tpu.memref_slice %arg14[%dma_start3A_79, %dma_start3A_80] : memref<10240x80xf32, #tpu.memory_space<vmem_shared>> -> memref<10240x80xf32, #tpu.memory_space<vmem_shared>>
          tpu.enqueue_indirect_dma source(%arg12 : memref<128x80xf32, #tpu.memory_space<vmem>>) target(%dma_start3A_81 : memref<10240x80xf32, #tpu.memory_space<vmem_shared>>) offsets(%dma_start3A_78 : memref<128xi32, #tpu.memory_space<vmem>>) semaphore(%run_scoped3A : memref<!tpu.dma_semaphore, #tpu.memory_space<semaphore_mem>>) {add = true}
          %dma_wait3A = tpu.memref_slice %arg10[%mul3A_77] : memref<20096xi32, #tpu.memory_space<vmem>> -> memref<128xi32, #tpu.memory_space<vmem>>
          %dma_wait3A_82 = arith.constant 0 : i32
          %dma_wait3A_83 = arith.constant 0 : i32
          %dma_wait3A_84 = tpu.memref_slice %arg14[%dma_wait3A_82, %dma_wait3A_83] : memref<10240x80xf32, #tpu.memory_space<vmem_shared>> -> memref<10240x80xf32, #tpu.memory_space<vmem_shared>>
          tpu.wait_indirect_dma semaphore(%run_scoped3A : memref<!tpu.dma_semaphore, #tpu.memory_space<semaphore_mem>>) src(%arg12 : memref<128x80xf32, #tpu.memory_space<vmem>>) dst(%dma_wait3A_84 : memref<10240x80xf32, #tpu.memory_space<vmem_shared>>)
          tpu.yield
        }) : () -> ()
      }
      %scan3A_52 = arith.constant 78 : i32
      tpu.wait_dma2 semaphore(%arg15 : memref<!tpu.dma_semaphore, #tpu.memory_space<semaphore_mem>>) src(%arg6 : memref<128x80xf32, #tpu.memory_space<hbm>>) dst(%arg11 : memref<128x80xf32, #tpu.memory_space<vmem>>)
      "tpu.region"() ({
        %run_scoped3A = tpu.sem_alloc : memref<!tpu.dma_semaphore, #tpu.memory_space<semaphore_mem>>
        %dma_start3A_53 = arith.constant 19968 : i32
        %dma_start3A_54 = tpu.memref_slice %arg10[%dma_start3A_53] : memref<20096xi32, #tpu.memory_space<vmem>> -> memref<128xi32, #tpu.memory_space<vmem>>
        %dma_start3A_55 = arith.constant 0 : i32
        %dma_start3A_56 = arith.constant 0 : i32
        %dma_start3A_57 = tpu.memref_slice %arg14[%dma_start3A_55, %dma_start3A_56] : memref<10240x80xf32, #tpu.memory_space<vmem_shared>> -> memref<10240x80xf32, #tpu.memory_space<vmem_shared>>
        tpu.enqueue_indirect_dma source(%arg11 : memref<128x80xf32, #tpu.memory_space<vmem>>) target(%dma_start3A_57 : memref<10240x80xf32, #tpu.memory_space<vmem_shared>>) offsets(%dma_start3A_54 : memref<128xi32, #tpu.memory_space<vmem>>) semaphore(%run_scoped3A : memref<!tpu.dma_semaphore, #tpu.memory_space<semaphore_mem>>) {add = true}
        %dma_wait3A = arith.constant 19968 : i32
        %dma_wait3A_58 = tpu.memref_slice %arg10[%dma_wait3A] : memref<20096xi32, #tpu.memory_space<vmem>> -> memref<128xi32, #tpu.memory_space<vmem>>
        %dma_wait3A_59 = arith.constant 0 : i32
        %dma_wait3A_60 = arith.constant 0 : i32
        %dma_wait3A_61 = tpu.memref_slice %arg14[%dma_wait3A_59, %dma_wait3A_60] : memref<10240x80xf32, #tpu.memory_space<vmem_shared>> -> memref<10240x80xf32, #tpu.memory_space<vmem_shared>>
        tpu.wait_indirect_dma semaphore(%run_scoped3A : memref<!tpu.dma_semaphore, #tpu.memory_space<semaphore_mem>>) src(%arg11 : memref<128x80xf32, #tpu.memory_space<vmem>>) dst(%dma_wait3A_61 : memref<10240x80xf32, #tpu.memory_space<vmem_shared>>)
        tpu.yield
      }) : () -> ()
    } else {
    }
    %barrier3A_33 = arith.constant 0 : index
    tpu.barrier barrier_id(%barrier3A_33)
    %eq3A_34 = arith.constant 0 : i32
    %eq3A_35 = arith.cmpi eq, %arg0, %eq3A_34 : i32
    %convert_element_type3A_36 = arith.extui %eq3A_35 : i1 to i32
    %cond3A_37 = arith.constant 0 : i32
    %cond3A_38 = arith.cmpi ne, %convert_element_type3A_36, %cond3A_37 : i32
    scf.if %cond3A_38 {
      %mul3A_44 = arith.constant 640 : i32
      %mul3A_45 = arith.muli %arg1, %mul3A_44 : i32
      %mul3A_46 = arith.constant 640 : i32
      %mul3A_47 = arith.muli %arg1, %mul3A_46 : i32
      "tpu.region"() ({
        %run_scoped3A = tpu.sem_alloc : memref<!tpu.dma_semaphore, #tpu.memory_space<semaphore_mem>>
        %dma_start3A = arith.constant 0 : i32
        %dma_start3A_48 = tpu.memref_slice %arg7[%mul3A_47, %dma_start3A] : memref<10240x80xf32, #tpu.memory_space<hbm>> -> memref<640x80xf32, #tpu.memory_space<hbm>>
        %dma_start3A_49 = arith.constant 0 : i32
        %dma_start3A_50 = tpu.memref_slice %arg14[%mul3A_45, %dma_start3A_49] : memref<10240x80xf32, #tpu.memory_space<vmem_shared>> -> memref<640x80xf32, #tpu.memory_space<vmem_shared>>
        tpu.enqueue_dma source(%dma_start3A_50 : memref<640x80xf32, #tpu.memory_space<vmem_shared>>) target(%dma_start3A_48 : memref<640x80xf32, #tpu.memory_space<hbm>>) target_semaphore(%run_scoped3A : memref<!tpu.dma_semaphore, #tpu.memory_space<semaphore_mem>>)
        %dma_wait3A = arith.constant 0 : i32
        %dma_wait3A_51 = tpu.memref_slice %arg7[%mul3A_47, %dma_wait3A] : memref<10240x80xf32, #tpu.memory_space<hbm>> -> memref<640x80xf32, #tpu.memory_space<hbm>>
        %dma_wait3A_52 = arith.constant 0 : i32
        %dma_wait3A_53 = tpu.memref_slice %arg14[%mul3A_45, %dma_wait3A_52] : memref<10240x80xf32, #tpu.memory_space<vmem_shared>> -> memref<640x80xf32, #tpu.memory_space<vmem_shared>>
        tpu.wait_dma2 semaphore(%run_scoped3A : memref<!tpu.dma_semaphore, #tpu.memory_space<semaphore_mem>>) src(%dma_wait3A_53 : memref<640x80xf32, #tpu.memory_space<vmem_shared>>) dst(%dma_wait3A_51 : memref<640x80xf32, #tpu.memory_space<hbm>>)
        tpu.yield
      }) : () -> ()
    } else {
    }
    %eq3A_39 = arith.constant 1 : i32
    %eq3A_40 = arith.cmpi eq, %arg0, %eq3A_39 : i32
    %convert_element_type3A_41 = arith.extui %eq3A_40 : i1 to i32
    %cond3A_42 = arith.constant 0 : i32
    %cond3A_43 = arith.cmpi ne, %convert_element_type3A_41, %cond3A_42 : i32
    scf.if %cond3A_43 {
      %mul3A_44 = arith.constant 640 : i32
      %mul3A_45 = arith.muli %arg1, %mul3A_44 : i32
      %mul3A_46 = arith.constant 640 : i32
      %mul3A_47 = arith.muli %arg1, %mul3A_46 : i32
      "tpu.region"() ({
        %run_scoped3A = tpu.sem_alloc : memref<!tpu.dma_semaphore, #tpu.memory_space<semaphore_mem>>
        %dma_start3A = arith.constant 0 : i32
        %dma_start3A_48 = tpu.memref_slice %arg8[%mul3A_47, %dma_start3A] : memref<10240x80xf32, #tpu.memory_space<hbm>> -> memref<640x80xf32, #tpu.memory_space<hbm>>
        %dma_start3A_49 = arith.constant 0 : i32
        %dma_start3A_50 = tpu.memref_slice %arg14[%mul3A_45, %dma_start3A_49] : memref<10240x80xf32, #tpu.memory_space<vmem_shared>> -> memref<640x80xf32, #tpu.memory_space<vmem_shared>>
        tpu.enqueue_dma source(%dma_start3A_50 : memref<640x80xf32, #tpu.memory_space<vmem_shared>>) target(%dma_start3A_48 : memref<640x80xf32, #tpu.memory_space<hbm>>) target_semaphore(%run_scoped3A : memref<!tpu.dma_semaphore, #tpu.memory_space<semaphore_mem>>)
        %dma_wait3A = arith.constant 0 : i32
        %dma_wait3A_51 = tpu.memref_slice %arg8[%mul3A_47, %dma_wait3A] : memref<10240x80xf32, #tpu.memory_space<hbm>> -> memref<640x80xf32, #tpu.memory_space<hbm>>
        %dma_wait3A_52 = arith.constant 0 : i32
        %dma_wait3A_53 = tpu.memref_slice %arg14[%mul3A_45, %dma_wait3A_52] : memref<10240x80xf32, #tpu.memory_space<vmem_shared>> -> memref<640x80xf32, #tpu.memory_space<vmem_shared>>
        tpu.wait_dma2 semaphore(%run_scoped3A : memref<!tpu.dma_semaphore, #tpu.memory_space<semaphore_mem>>) src(%dma_wait3A_53 : memref<640x80xf32, #tpu.memory_space<vmem_shared>>) dst(%dma_wait3A_51 : memref<640x80xf32, #tpu.memory_space<hbm>>)
        tpu.yield
      }) : () -> ()
    } else {
    }
    return
  }
}

module attributes {stable_mosaic.version = 14 : i64} {
  func.func @_h_alpha_body(%arg0: i32, %arg1: memref<2048x128xf32, #tpu.memory_space<vmem>>, %arg2: memref<256x128xf32, #tpu.memory_space<vmem>>, %arg3: memref<1x256xf32, #tpu.memory_space<vmem>>, %arg4: memref<2048x80xf32, #tpu.memory_space<vmem>>, %arg5: memref<2048x80xf32, #tpu.memory_space<vmem>>, %arg6: memref<2048x80xf32, #tpu.memory_space<vmem>>, %arg7: memref<2048x80xf32, #tpu.memory_space<vmem>>, %arg8: memref<2048x1xf32, #tpu.memory_space<vmem>>, %arg9: memref<1x256xf32, #tpu.memory_space<vmem>>) attributes {dimension_semantics = [#tpu.dimension_semantics<arbitrary>], iteration_bounds = array<i64: 5>, scalar_prefetch = 0 : i64, scratch_operands = 0 : i64, tpu.core_type = #tpu.core_type<tc>, window_params = [{transform_indices = @transform_0, window_bounds = array<i64: 2048, 128>}, {pipeline_mode = #tpu.pipeline_mode<synchronous>, transform_indices = @transform_1, window_bounds = array<i64: 256, 128>}, {pipeline_mode = #tpu.pipeline_mode<synchronous>, transform_indices = @transform_2, window_bounds = array<i64: 1, 256>}, {transform_indices = @transform_3, window_bounds = array<i64: 2048, 80>}, {transform_indices = @transform_4, window_bounds = array<i64: 2048, 80>}, {transform_indices = @transform_5, window_bounds = array<i64: 2048, 80>}, {transform_indices = @transform_6, window_bounds = array<i64: 2048, 80>}, {transform_indices = @transform_7, window_bounds = array<i64: 2048, 1>}, {pipeline_mode = #tpu.pipeline_mode<synchronous>, transform_indices = @transform_8, window_bounds = array<i64: 1, 256>}]} {
    %get3A = arith.constant 0 : index
    %get3A_0 = arith.constant 0 : index
    %get3A_1 = vector.load %arg1[%get3A, %get3A_0] : memref<2048x128xf32, #tpu.memory_space<vmem>>, vector<2048x128xf32>
    %get3A_2 = arith.constant 0 : index
    %get3A_3 = arith.constant 0 : index
    %get3A_4 = vector.load %arg2[%get3A_2, %get3A_3] : memref<256x128xf32, #tpu.memory_space<vmem>>, vector<256x128xf32>
    %dot_general3A = arith.constant dense<0.000000e+00> : vector<2048x256xf32>
    %dot_general3A_5 = tpu.matmul %get3A_1, %get3A_4, %dot_general3A {dimension_numbers = #tpu.dot_dimension_numbers<[1], [1], [0], [0], [0, 0, 1, 0], [], []>, transpose_lhs_hint = false} : vector<2048x128xf32>, vector<256x128xf32>, vector<2048x256xf32> -> vector<2048x256xf32>
    %get3A_6 = arith.constant 0 : index
    %get3A_7 = arith.constant 0 : index
    %get3A_8 = vector.load %arg3[%get3A_6, %get3A_7] : memref<1x256xf32, #tpu.memory_space<vmem>>, vector<1x256xf32>
    %mul3A = vector.broadcast %get3A_8 : vector<1x256xf32> to vector<2048x256xf32>
    %mul3A_9 = arith.mulf %dot_general3A_5, %mul3A : vector<2048x256xf32>
    %reduce_sum3A = arith.constant dense<0.000000e+00> : vector<2048xf32>
    %reduce_sum3A_10 = vector.multi_reduction <add>, %mul3A_9, %reduce_sum3A [1] : vector<2048x256xf32> to vector<2048xf32>
    %broadcast_in_dim3A = vector.shape_cast %reduce_sum3A_10 : vector<2048xf32> to vector<2048x1xf32>
    %reduce_sum3A_11 = arith.constant dense<0.000000e+00> : vector<2048xf32>
    %reduce_sum3A_12 = vector.multi_reduction <add>, %dot_general3A_5, %reduce_sum3A_11 [1] : vector<2048x256xf32> to vector<2048xf32>
    %broadcast_in_dim3A_13 = vector.shape_cast %reduce_sum3A_12 : vector<2048xf32> to vector<2048x1xf32>
    %mul3A_14 = arith.mulf %broadcast_in_dim3A, %broadcast_in_dim3A_13 : vector<2048x1xf32>
    %ge3A = arith.constant 0.000000e+00 : f32
    %ge3A_15 = vector.broadcast %ge3A : f32 to vector<2048x1xf32>
    %ge3A_16 = arith.cmpf oge, %mul3A_14, %ge3A_15 : vector<2048x1xf32>
    %mul3A_17 = arith.constant 2.000000e-01 : f32
    %mul3A_18 = vector.broadcast %mul3A_17 : f32 to vector<2048x1xf32>
    %mul3A_19 = arith.mulf %mul3A_18, %mul3A_14 : vector<2048x1xf32>
    %select_n3A = arith.select %ge3A_16, %mul3A_14, %mul3A_19 : vector<2048x1xi1>, vector<2048x1xf32>
    %swap3A = arith.constant 0 : index
    %swap3A_20 = arith.constant 0 : index
    %swap3A_21 = vector.load %arg8[%swap3A, %swap3A_20] : memref<2048x1xf32, #tpu.memory_space<vmem>>, vector<2048x1xf32>
    tpu.vector_store %arg8[%swap3A, %swap3A_20], %select_n3A {strides = array<i32>} : memref<2048x1xf32, #tpu.memory_space<vmem>>, vector<2048x1xf32>,
    %mul3A_22 = arith.constant 2048 : i32
    %mul3A_23 = arith.muli %arg0, %mul3A_22 : i32
    %iota3A = tpu.iota {dimensions = array<i32: 0>} : vector<2048x1xi32>
    %add3A = vector.broadcast %mul3A_23 : i32 to vector<2048x1xi32>
    %add3A_24 = arith.addi %add3A, %iota3A : vector<2048x1xi32>
    %lt3A = arith.constant 10000 : i32
    %lt3A_25 = vector.broadcast %lt3A : i32 to vector<2048x1xi32>
    %lt3A_26 = arith.cmpi slt, %add3A_24, %lt3A_25 : vector<2048x1xi32>
    %jit3A = arith.constant 1.000000e+00 : f32
    %jit3A_27 = arith.constant 0.000000e+00 : f32
    %broadcast_in_dim3A_28 = vector.broadcast %jit3A : f32 to vector<2048x1xf32>
    %broadcast_in_dim3A_29 = vector.broadcast %jit3A_27 : f32 to vector<2048x1xf32>
    %select_n3A_30 = arith.select %lt3A_26, %broadcast_in_dim3A_28, %broadcast_in_dim3A_29 : vector<2048x1xi1>, vector<2048x1xf32>
    %broadcast_in_dim3A_31 = arith.constant 0.000000e+00 : f32
    %broadcast_in_dim3A_32 = vector.broadcast %broadcast_in_dim3A_31 : f32 to vector<2048x15xf32>
    %slice3A = vector.extract_strided_slice %dot_general3A_5 {offsets = [0, 0], sizes = [2048, 64], strides = [1, 1]} : vector<2048x256xf32> to vector<2048x64xf32>
    %concatenate3A = tpu.concatenate %slice3A, %select_n3A_30, %broadcast_in_dim3A_32 in 1 : vector<2048x64xf32>, vector<2048x1xf32>, vector<2048x15xf32> -> vector<2048x80xf32>
    %swap3A_33 = arith.constant 0 : index
    %swap3A_34 = arith.constant 0 : index
    %swap3A_35 = vector.load %arg4[%swap3A_33, %swap3A_34] : memref<2048x80xf32, #tpu.memory_space<vmem>>, vector<2048x80xf32>
    tpu.vector_store %arg4[%swap3A_33, %swap3A_34], %concatenate3A {strides = array<i32>} : memref<2048x80xf32, #tpu.memory_space<vmem>>, vector<2048x80xf32>,
    %slice3A_36 = vector.extract_strided_slice %dot_general3A_5 {offsets = [0, 64], sizes = [2048, 64], strides = [1, 1]} : vector<2048x256xf32> to vector<2048x64xf32>
    %concatenate3A_37 = tpu.concatenate %slice3A_36, %select_n3A_30, %broadcast_in_dim3A_32 in 1 : vector<2048x64xf32>, vector<2048x1xf32>, vector<2048x15xf32> -> vector<2048x80xf32>
    %swap3A_38 = arith.constant 0 : index
    %swap3A_39 = arith.constant 0 : index
    %swap3A_40 = vector.load %arg5[%swap3A_38, %swap3A_39] : memref<2048x80xf32, #tpu.memory_space<vmem>>, vector<2048x80xf32>
    tpu.vector_store %arg5[%swap3A_38, %swap3A_39], %concatenate3A_37 {strides = array<i32>} : memref<2048x80xf32, #tpu.memory_space<vmem>>, vector<2048x80xf32>,
    %slice3A_41 = vector.extract_strided_slice %dot_general3A_5 {offsets = [0, 128], sizes = [2048, 64], strides = [1, 1]} : vector<2048x256xf32> to vector<2048x64xf32>
    %concatenate3A_42 = tpu.concatenate %slice3A_41, %select_n3A_30, %broadcast_in_dim3A_32 in 1 : vector<2048x64xf32>, vector<2048x1xf32>, vector<2048x15xf32> -> vector<2048x80xf32>
    %swap3A_43 = arith.constant 0 : index
    %swap3A_44 = arith.constant 0 : index
    %swap3A_45 = vector.load %arg6[%swap3A_43, %swap3A_44] : memref<2048x80xf32, #tpu.memory_space<vmem>>, vector<2048x80xf32>
    tpu.vector_store %arg6[%swap3A_43, %swap3A_44], %concatenate3A_42 {strides = array<i32>} : memref<2048x80xf32, #tpu.memory_space<vmem>>, vector<2048x80xf32>,
    %slice3A_46 = vector.extract_strided_slice %dot_general3A_5 {offsets = [0, 192], sizes = [2048, 64], strides = [1, 1]} : vector<2048x256xf32> to vector<2048x64xf32>
    %concatenate3A_47 = tpu.concatenate %slice3A_46, %select_n3A_30, %broadcast_in_dim3A_32 in 1 : vector<2048x64xf32>, vector<2048x1xf32>, vector<2048x15xf32> -> vector<2048x80xf32>
    %swap3A_48 = arith.constant 0 : index
    %swap3A_49 = arith.constant 0 : index
    %swap3A_50 = vector.load %arg7[%swap3A_48, %swap3A_49] : memref<2048x80xf32, #tpu.memory_space<vmem>>, vector<2048x80xf32>
    tpu.vector_store %arg7[%swap3A_48, %swap3A_49], %concatenate3A_47 {strides = array<i32>} : memref<2048x80xf32, #tpu.memory_space<vmem>>, vector<2048x80xf32>,
    %eq3A = arith.constant 0 : i32
    %eq3A_51 = arith.cmpi eq, %arg0, %eq3A : i32
    %convert_element_type3A = arith.extui %eq3A_51 : i1 to i32
    %cond3A = arith.constant 0 : i32
    %cond3A_52 = arith.cmpi ne, %convert_element_type3A, %cond3A : i32
    scf.if %cond3A_52 {
      %broadcast_in_dim3A_63 = arith.constant 0.000000e+00 : f32
      %broadcast_in_dim3A_64 = vector.broadcast %broadcast_in_dim3A_63 : f32 to vector<1x256xf32>
      %swap3A_65 = arith.constant 0 : index
      %swap3A_66 = arith.constant 0 : index
      %swap3A_67 = vector.load %arg9[%swap3A_65, %swap3A_66] : memref<1x256xf32, #tpu.memory_space<vmem>>, vector<1x256xf32>
      tpu.vector_store %arg9[%swap3A_65, %swap3A_66], %broadcast_in_dim3A_64 {strides = array<i32>} : memref<1x256xf32, #tpu.memory_space<vmem>>, vector<1x256xf32>,
    } else {
    }
    %get3A_53 = arith.constant 0 : index
    %get3A_54 = arith.constant 0 : index
    %get3A_55 = vector.load %arg9[%get3A_53, %get3A_54] : memref<1x256xf32, #tpu.memory_space<vmem>>, vector<1x256xf32>
    %reduce_sum3A_56 = arith.constant dense<0.000000e+00> : vector<256xf32>
    %reduce_sum3A_57 = vector.multi_reduction <add>, %dot_general3A_5, %reduce_sum3A_56 [0] : vector<2048x256xf32> to vector<256xf32>
    %broadcast_in_dim3A_58 = vector.shape_cast %reduce_sum3A_57 : vector<256xf32> to vector<1x256xf32>
    %add3A_59 = arith.addf %get3A_55, %broadcast_in_dim3A_58 : vector<1x256xf32>
    %swap3A_60 = arith.constant 0 : index
    %swap3A_61 = arith.constant 0 : index
    %swap3A_62 = vector.load %arg9[%swap3A_60, %swap3A_61] : memref<1x256xf32, #tpu.memory_space<vmem>>, vector<1x256xf32>
    tpu.vector_store %arg9[%swap3A_60, %swap3A_61], %add3A_59 {strides = array<i32>} : memref<1x256xf32, #tpu.memory_space<vmem>>, vector<1x256xf32>,
    return
  }
  func.func @transform_0(%arg0: i32) -> (i32, i32) {
    %c0_i32 = arith.constant 0 : i32
    %c0_i32_0 = arith.constant 0 : i32
    return %arg0, %c0_i32 : i32, i32
  }
  func.func @transform_1(%arg0: i32) -> (i32, i32) {
    %c0_i32 = arith.constant 0 : i32
    %c0_i32_0 = arith.constant 0 : i32
    %c0_i32_1 = arith.constant 0 : i32
    return %c0_i32, %c0_i32_0 : i32, i32
  }
  func.func @transform_2(%arg0: i32) -> (i32, i32) {
    %c0_i32 = arith.constant 0 : i32
    %c0_i32_0 = arith.constant 0 : i32
    %c0_i32_1 = arith.constant 0 : i32
    return %c0_i32, %c0_i32_0 : i32, i32
  }
  func.func @transform_3(%arg0: i32) -> (i32, i32) {
    %c0_i32 = arith.constant 0 : i32
    %c0_i32_0 = arith.constant 0 : i32
    return %arg0, %c0_i32 : i32, i32
  }
  func.func @transform_4(%arg0: i32) -> (i32, i32) {
    %c0_i32 = arith.constant 0 : i32
    %c0_i32_0 = arith.constant 0 : i32
    return %arg0, %c0_i32 : i32, i32
  }
  func.func @transform_5(%arg0: i32) -> (i32, i32) {
    %c0_i32 = arith.constant 0 : i32
    %c0_i32_0 = arith.constant 0 : i32
    return %arg0, %c0_i32 : i32, i32
  }
  func.func @transform_6(%arg0: i32) -> (i32, i32) {
    %c0_i32 = arith.constant 0 : i32
    %c0_i32_0 = arith.constant 0 : i32
    return %arg0, %c0_i32 : i32, i32
  }
  func.func @transform_7(%arg0: i32) -> (i32, i32) {
    %c0_i32 = arith.constant 0 : i32
    %c0_i32_0 = arith.constant 0 : i32
    return %arg0, %c0_i32 : i32, i32
  }
  func.func @transform_8(%arg0: i32) -> (i32, i32) {
    %c0_i32 = arith.constant 0 : i32
    %c0_i32_0 = arith.constant 0 : i32
    %c0_i32_1 = arith.constant 0 : i32
    return %c0_i32, %c0_i32_0 : i32, i32
  }
}

module attributes {stable_mosaic.version = 14 : i64} {
  func.func @_final_body(%arg0: i32, %arg1: memref<2048x80xf32, #tpu.memory_space<vmem>>, %arg2: memref<2048x80xf32, #tpu.memory_space<vmem>>, %arg3: memref<2048x80xf32, #tpu.memory_space<vmem>>, %arg4: memref<2048x80xf32, #tpu.memory_space<vmem>>, %arg5: memref<2048x1xf32, #tpu.memory_space<vmem>>, %arg6: memref<1x256xf32, #tpu.memory_space<vmem>>, %arg7: memref<256x256xf32, #tpu.memory_space<vmem>>, %arg8: memref<1x256xf32, #tpu.memory_space<vmem>>, %arg9: memref<2048x256xf32, #tpu.memory_space<vmem>>) attributes {dimension_semantics = [#tpu.dimension_semantics<arbitrary>], iteration_bounds = array<i64: 5>, scalar_prefetch = 0 : i64, scratch_operands = 0 : i64, tpu.core_type = #tpu.core_type<tc>, window_params = [{transform_indices = @transform_0, window_bounds = array<i64: 2048, 80>}, {transform_indices = @transform_1, window_bounds = array<i64: 2048, 80>}, {transform_indices = @transform_2, window_bounds = array<i64: 2048, 80>}, {transform_indices = @transform_3, window_bounds = array<i64: 2048, 80>}, {transform_indices = @transform_4, window_bounds = array<i64: 2048, 1>}, {pipeline_mode = #tpu.pipeline_mode<synchronous>, transform_indices = @transform_5, window_bounds = array<i64: 1, 256>}, {pipeline_mode = #tpu.pipeline_mode<synchronous>, transform_indices = @transform_6, window_bounds = array<i64: 256, 256>}, {pipeline_mode = #tpu.pipeline_mode<synchronous>, transform_indices = @transform_7, window_bounds = array<i64: 1, 256>}, {transform_indices = @transform_8, window_bounds = array<i64: 2048, 256>}]} {
    %get3A = arith.constant 0 : index
    %get3A_0 = arith.constant 0 : index
    %get3A_1 = vector.load %arg1[%get3A, %get3A_0] : memref<2048x80xf32, #tpu.memory_space<vmem>>, vector<2048x80xf32>
    %slice3A = vector.extract_strided_slice %get3A_1 {offsets = [0, 0], sizes = [2048, 64], strides = [1, 1]} : vector<2048x80xf32> to vector<2048x64xf32>
    %get3A_2 = arith.constant 0 : index
    %get3A_3 = arith.constant 0 : index
    %get3A_4 = vector.load %arg2[%get3A_2, %get3A_3] : memref<2048x80xf32, #tpu.memory_space<vmem>>, vector<2048x64xf32>
    %get3A_5 = arith.constant 0 : index
    %get3A_6 = arith.constant 0 : index
    %get3A_7 = vector.load %arg3[%get3A_5, %get3A_6] : memref<2048x80xf32, #tpu.memory_space<vmem>>, vector<2048x64xf32>
    %get3A_8 = arith.constant 0 : index
    %get3A_9 = arith.constant 0 : index
    %get3A_10 = vector.load %arg4[%get3A_8, %get3A_9] : memref<2048x80xf32, #tpu.memory_space<vmem>>, vector<2048x64xf32>
    %concatenate3A = tpu.concatenate %slice3A, %get3A_4, %get3A_7, %get3A_10 in 1 : vector<2048x64xf32>, vector<2048x64xf32>, vector<2048x64xf32>, vector<2048x64xf32> -> vector<2048x256xf32>
    %slice3A_11 = vector.extract_strided_slice %get3A_1 {offsets = [0, 64], sizes = [2048, 1], strides = [1, 1]} : vector<2048x80xf32> to vector<2048x1xf32>
    %get3A_12 = arith.constant 0 : index
    %get3A_13 = arith.constant 0 : index
    %get3A_14 = vector.load %arg5[%get3A_12, %get3A_13] : memref<2048x1xf32, #tpu.memory_space<vmem>>, vector<2048x1xf32>
    %abs3A = math.absf %get3A_14 : vector<2048x1xf32>
    %neg3A = arith.constant 0.000000e+00 : f32
    %neg3A_15 = vector.broadcast %neg3A : f32 to vector<2048x1xf32>
    %neg3A_16 = arith.subf %neg3A_15, %abs3A : vector<2048x1xf32>
    %exp3A = math.exp %neg3A_16 : vector<2048x1xf32>
    %ge3A = arith.constant 0.000000e+00 : f32
    %ge3A_17 = vector.broadcast %ge3A : f32 to vector<2048x1xf32>
    %ge3A_18 = arith.cmpf oge, %get3A_14, %ge3A_17 : vector<2048x1xf32>
    %sub3A = arith.constant 1.000000e+00 : f32
    %sub3A_19 = vector.broadcast %sub3A : f32 to vector<2048x1xf32>
    %sub3A_20 = arith.subf %sub3A_19, %exp3A : vector<2048x1xf32>
    %sub3A_21 = arith.constant 1.000000e+00 : f32
    %sub3A_22 = vector.broadcast %sub3A_21 : f32 to vector<2048x1xf32>
    %sub3A_23 = arith.subf %exp3A, %sub3A_22 : vector<2048x1xf32>
    %select_n3A = arith.select %ge3A_18, %sub3A_20, %sub3A_23 : vector<2048x1xi1>, vector<2048x1xf32>
    %jit3A = arith.constant 1.000000e+00 : f32
    %broadcast_in_dim3A = vector.broadcast %jit3A : f32 to vector<2048x1xf32>
    %select_n3A_24 = arith.select %ge3A_18, %exp3A, %broadcast_in_dim3A : vector<2048x1xi1>, vector<2048x1xf32>
    %mul3A = vector.broadcast %select_n3A : vector<2048x1xf32> to vector<2048x256xf32>
    %mul3A_25 = arith.mulf %mul3A, %concatenate3A : vector<2048x256xf32>
    %get3A_26 = arith.constant 0 : index
    %get3A_27 = arith.constant 0 : index
    %get3A_28 = vector.load %arg6[%get3A_26, %get3A_27] : memref<1x256xf32, #tpu.memory_space<vmem>>, vector<1x256xf32>
    %mul3A_29 = vector.broadcast %select_n3A_24 : vector<2048x1xf32> to vector<2048x256xf32>
    %mul3A_30 = vector.broadcast %get3A_28 : vector<1x256xf32> to vector<2048x256xf32>
    %mul3A_31 = arith.mulf %mul3A_29, %mul3A_30 : vector<2048x256xf32>
    %add3A = arith.addf %mul3A_25, %mul3A_31 : vector<2048x256xf32>
    %mul3A_32 = arith.mulf %select_n3A, %slice3A_11 : vector<2048x1xf32>
    %mul3A_33 = arith.constant 1.000000e+04 : f32
    %mul3A_34 = vector.broadcast %mul3A_33 : f32 to vector<2048x1xf32>
    %mul3A_35 = arith.mulf %mul3A_34, %exp3A : vector<2048x1xf32>
    %jit3A_36 = arith.constant 1.000000e+04 : f32
    %broadcast_in_dim3A_37 = vector.broadcast %jit3A_36 : f32 to vector<2048x1xf32>
    %select_n3A_38 = arith.select %ge3A_18, %mul3A_35, %broadcast_in_dim3A_37 : vector<2048x1xi1>, vector<2048x1xf32>
    %add3A_39 = arith.addf %mul3A_32, %select_n3A_38 : vector<2048x1xf32>
    %div3A = vector.broadcast %add3A_39 : vector<2048x1xf32> to vector<2048x256xf32>
    %div3A_40 = arith.divf %add3A, %div3A : vector<2048x256xf32>
    %get3A_41 = arith.constant 0 : index
    %get3A_42 = arith.constant 0 : index
    %get3A_43 = vector.load %arg7[%get3A_41, %get3A_42] : memref<256x256xf32, #tpu.memory_space<vmem>>, vector<256x256xf32>
    %dot_general3A = arith.constant dense<0.000000e+00> : vector<2048x256xf32>
    %dot_general3A_44 = tpu.matmul %div3A_40, %get3A_43, %dot_general3A {dimension_numbers = #tpu.dot_dimension_numbers<[1], [1], [0], [0], [0, 0, 1, 0], [], []>, transpose_lhs_hint = false} : vector<2048x256xf32>, vector<256x256xf32>, vector<2048x256xf32> -> vector<2048x256xf32>
    %get3A_45 = arith.constant 0 : index
    %get3A_46 = arith.constant 0 : index
    %get3A_47 = vector.load %arg8[%get3A_45, %get3A_46] : memref<1x256xf32, #tpu.memory_space<vmem>>, vector<1x256xf32>
    %add3A_48 = vector.broadcast %get3A_47 : vector<1x256xf32> to vector<2048x256xf32>
    %add3A_49 = arith.addf %dot_general3A_44, %add3A_48 : vector<2048x256xf32>
    %gt3A = arith.constant 0.000000e+00 : f32
    %gt3A_50 = vector.broadcast %gt3A : f32 to vector<2048x256xf32>
    %gt3A_51 = arith.cmpf ogt, %add3A_49, %gt3A_50 : vector<2048x256xf32>
    %min3A = arith.constant 0.000000e+00 : f32
    %min3A_52 = vector.broadcast %min3A : f32 to vector<2048x256xf32>
    %min3A_53 = arith.minimumf %add3A_49, %min3A_52 : vector<2048x256xf32>
    %exp3A_54 = math.exp %min3A_53 : vector<2048x256xf32>
    %sub3A_55 = arith.constant 1.000000e+00 : f32
    %sub3A_56 = vector.broadcast %sub3A_55 : f32 to vector<2048x256xf32>
    %sub3A_57 = arith.subf %exp3A_54, %sub3A_56 : vector<2048x256xf32>
    %select_n3A_58 = arith.select %gt3A_51, %add3A_49, %sub3A_57 : vector<2048x256xi1>, vector<2048x256xf32>
    %swap3A = arith.constant 0 : index
    %swap3A_59 = arith.constant 0 : index
    %swap3A_60 = vector.load %arg9[%swap3A, %swap3A_59] : memref<2048x256xf32, #tpu.memory_space<vmem>>, vector<2048x256xf32>
    tpu.vector_store %arg9[%swap3A, %swap3A_59], %select_n3A_58 {strides = array<i32>} : memref<2048x256xf32, #tpu.memory_space<vmem>>, vector<2048x256xf32>,
    return
  }
  func.func @transform_0(%arg0: i32) -> (i32, i32) {
    %c0_i32 = arith.constant 0 : i32
    %c0_i32_0 = arith.constant 0 : i32
    return %arg0, %c0_i32 : i32, i32
  }
  func.func @transform_1(%arg0: i32) -> (i32, i32) {
    %c0_i32 = arith.constant 0 : i32
    %c0_i32_0 = arith.constant 0 : i32
    return %arg0, %c0_i32 : i32, i32
  }
  func.func @transform_2(%arg0: i32) -> (i32, i32) {
    %c0_i32 = arith.constant 0 : i32
    %c0_i32_0 = arith.constant 0 : i32
    return %arg0, %c0_i32 : i32, i32
  }
  func.func @transform_3(%arg0: i32) -> (i32, i32) {
    %c0_i32 = arith.constant 0 : i32
    %c0_i32_0 = arith.constant 0 : i32
    return %arg0, %c0_i32 : i32, i32
  }
  func.func @transform_4(%arg0: i32) -> (i32, i32) {
    %c0_i32 = arith.constant 0 : i32
    %c0_i32_0 = arith.constant 0 : i32
    return %arg0, %c0_i32 : i32, i32
  }
  func.func @transform_5(%arg0: i32) -> (i32, i32) {
    %c0_i32 = arith.constant 0 : i32
    %c0_i32_0 = arith.constant 0 : i32
    %c0_i32_1 = arith.constant 0 : i32
    return %c0_i32, %c0_i32_0 : i32, i32
  }
  func.func @transform_6(%arg0: i32) -> (i32, i32) {
    %c0_i32 = arith.constant 0 : i32
    %c0_i32_0 = arith.constant 0 : i32
    %c0_i32_1 = arith.constant 0 : i32
    return %c0_i32, %c0_i32_0 : i32, i32
  }
  func.func @transform_7(%arg0: i32) -> (i32, i32) {
    %c0_i32 = arith.constant 0 : i32
    %c0_i32_0 = arith.constant 0 : i32
    %c0_i32_1 = arith.constant 0 : i32
    return %c0_i32, %c0_i32_0 : i32, i32
  }
  func.func @transform_8(%arg0: i32) -> (i32, i32) {
    %c0_i32 = arith.constant 0 : i32
    %c0_i32_0 = arith.constant 0 : i32
    return %arg0, %c0_i32 : i32, i32
  }
}

</mosaic_0001>

<sc_bundles>
// kernel: closed_call.12.cloned.1.call-start
scs
__scs_entry_jumppad:
0x0: {  	(pc) =	sbr.rel $0x88, $3  }
0x1: {  	(tag) =	ssettag $0x0;
	lr =	simm.s32 $0x1  }
0x2: {  	[smem:$0x3F9B] =	sst lr;
	_ =	strace $0xD0000000  }
0x3: {  	_ = 	snop  }
0x4: {  	_ = 	snop  }
0x5: {  	_ = 	snop  }
0x6: {  	_ = 	snop  }
0x7: {  	_ = 	snop  }
__scs_overlays_trampoline_lowered:
0x8: {  	[smem:$0x3FAA] =	sst s0  }
0x9: {  	[smem:$0x3FAB] =	sst s1  }
0xa: {  	[smem:$0x3FAC] =	sst s2  }
0xb: {  	[smem:$0x3FAD] =	sst s3  }
0xc: {  	[smem:$0x3FAE] =	sst s4  }
0xd: {  	[smem:$0x3FAF] =	sst s5  }
0xe: {  	[smem:$0x3FB0] =	sst s6  }
0xf: {  	[smem:$0x3FB1] =	sst s7  }
0x10: {  	[smem:$0x3FB2] =	sst s8  }
0x11: {  	[smem:$0x3FB3] =	sst s9;
	s0 =	simm.s32 @!p0 $0x0  }
0x12: {  	s1 =	sld [smem:$0x3F99];
	s0 =	simm.s32 @p0 $0x1  }
0x13: {  	[smem:$0x3FB4] =	sst s0;
	s0 =	simm.s32 @!p1 $0x0  }
0x14: {  	s2 =	sld [smem:$0x3F98];
	s0 =	simm.s32 @p1 $0x1  }
0x15: {  	[smem:$0x3FB5] =	sst s0;
	s0 =	simm.s32 @!p2 $0x0  }
0x16: {  	s3 =	sld [smem:$0x3FDB];
	s0 =	simm.s32 @p2 $0x1  }
0x17: {  	s4 =	simm.s32 $0x1BF5;
	[smem:$0x3FB7] =	sst s0  }
0x18: {  	s0 =	sld [smem:$0x3F9A];
	_ =	swait.ge [sflag:s4], $0x0  }
0x19: {  	s7 =	sld [smem:$0x3F9B]  }
0x1a: {  	s8 =	sadd.s32 $0xFFFFE003, lr  }
0x1b: {  	s9 =	sadd.s32 $0xFFFFFEF7, lr;
	s5 =	simm.s32 $0xFFFFFFFF;
	p2 =	slt.u32 s8, $0xFFFFF086  }
0x1c: {  	p1 =	slt.u32 s9, $0xF7A;
	s5 =	simm.s32 @!p2 $0x0  }
0x1d: {  	s5 =	simm.s32 @p1 $0x1;
	p0 =	seq.s32 s7, s2  }
0x1e: {  	s7 =	smul.u32 @!p0 $0xF7A, s2;
	p2 =	seq.s32 @!p0 s5, $0x0  }
0x1f: {  	s9 =	smul.u32 $0xF7A, s1;
	s8 =	simm.s32 @!p0 $0x1BF5;
	p2 =	por !p2, p0  }
0x20: {  	[sflag:s8] =	ssyncset.s32 @!p0 $0xFFFFF086;
	s6 =	sadd.s32 @!p0 s3, s7;
	s7 =	simm.s32 @!p0 $0x108  }
0x21: {  	s3 =	sadd.s32 s3, s9;
	s6 =	sadd.s32 @!p0 $0x88, s6;
	s7 =	simm.s32 @p2 $0x1082  }
0x22: {  	[simem:s7], [sflag:s8] =	dma.local @!p0 [hbm:s6], $0xF7A  }
0x23: {  	s9 =	sor.u32 $0xD0000000, s2;
	s6 =	simm.s32 $0x108;
	_ =	swait.ge @!p0 [sflag:s8], $0x0  }
0x24: {  	s3 =	sadd.s32 $0x88, s3;
	s6 =	simm.s32 @!p1 $0x1082;
	[sflag:s4] =	ssyncset.s32 $0xFFFFF086  }
0x25: {  	[simem:s6], [sflag:s4] =	dma.local [hbm:s3], $0xF7A  }
0x26: {  	[smem:$0x3F9B] =	sst s1;
	(tag) =	ssettag s2;
	_ =	strace s9  }
0x27: {  	s1 =	sld [smem:$0x3FAB]  }
0x28: {  	s2 =	sld [smem:$0x3FAC]  }
0x29: {  	s4 =	sld [smem:$0x3FAE]  }
0x2a: {  	p0 =	seq.s32 s5, $0x0;
	s5 =	sld [smem:$0x3FAF]  }
0x2b: {  	s6 =	sld [smem:$0x3FB0]  }
0x2c: {  	s7 =	sld [smem:$0x3FB1]  }
0x2d: {  	s3 =	simm.s32 $0x108;
	s8 =	sld [smem:$0x3FB2]  }
0x2e: {  	s3 =	simm.s32 @!p0 $0x1082;
	s9 =	sld [smem:$0x3FB3]  }
0x2f: {  	lr =	sadd.s32 s0, s3;
	s0 =	sld [smem:$0x3FAA]  }
0x30: {  	s3 =	sld [smem:$0x3FAD]  }
0x31: {  	[smem:$0x3FB6] =	sst s10  }
0x32: {  	s10 =	sld [smem:$0x3FB4];
	_ =	sdelay $0x3  }
0x33: {  	p0 =	seq.s32 s10, $0x1;
	s10 =	sld [smem:$0x3FB6];
	_ =	sdelay $0x3  }
0x34: {  	[smem:$0x3FB6] =	sst s10  }
0x35: {  	s10 =	sld [smem:$0x3FB5];
	_ =	sdelay $0x3  }
0x36: {  	p1 =	seq.s32 s10, $0x1;
	s10 =	sld [smem:$0x3FB6];
	_ =	sdelay $0x3  }
0x37: {  	[smem:$0x3FB6] =	sst s10  }
0x38: {  	s10 =	sld [smem:$0x3FB7]  }
0x39: {  	_ = 	snop;
	(pc) =	sbr.ind lr, $3  }
0x3a: {  	_ = 	snop  }
0x3b: {  	_ = 	snop  }
0x3c: {  	p2 =	seq.s32 s10, $0x1;
	s10 =	sld [smem:$0x3FB6]  }
0x3d: {  	_ =	shalt  }
0x3e: {  	_ =	shalt  }
0x3f: {  	_ =	shalt  }
0x40: {  	_ =	shalt  }
0x41: {  	_ =	shalt  }
0x42: {  	_ =	shalt  }
0x43: {  	_ =	shalt  }
0x44: {  	_ =	shalt  }
0x45: {  	_ =	shalt  }
0x46: {  	_ =	shalt  }
0x47: {  	_ =	shalt  }
0x48: {  	_ =	shalt  }
0x49: {  	_ =	shalt  }
0x4a: {  	_ =	shalt  }
0x4b: {  	_ =	shalt  }
0x4c: {  	_ =	shalt  }
0x4d: {  	_ =	shalt  }
0x4e: {  	_ =	shalt  }
0x4f: {  	_ =	shalt  }
0x50: {  	_ =	shalt  }
0x51: {  	_ =	shalt  }
0x52: {  	_ =	shalt  }
0x53: {  	_ =	shalt  }
0x54: {  	_ =	shalt  }
0x55: {  	_ =	shalt  }
0x56: {  	_ =	shalt  }
0x57: {  	_ =	shalt  }
0x58: {  	_ =	shalt  }
0x59: {  	_ =	shalt  }
0x5a: {  	_ =	shalt  }
0x5b: {  	_ =	shalt  }
0x5c: {  	_ =	shalt  }
0x5d: {  	_ =	shalt  }
0x5e: {  	_ =	shalt  }
0x5f: {  	_ =	shalt  }
0x60: {  	_ =	shalt  }
0x61: {  	_ =	shalt  }
0x62: {  	_ =	shalt  }
0x63: {  	_ =	shalt  }
0x64: {  	_ =	shalt  }
0x65: {  	_ =	shalt  }
0x66: {  	_ =	shalt  }
0x67: {  	_ =	shalt  }
0x68: {  	_ =	shalt  }
0x69: {  	_ =	shalt  }
0x6a: {  	_ =	shalt  }
0x6b: {  	_ =	shalt  }
0x6c: {  	_ =	shalt  }
0x6d: {  	_ =	shalt  }
0x6e: {  	_ =	shalt  }
0x6f: {  	_ =	shalt  }
0x70: {  	_ =	shalt  }
0x71: {  	_ =	shalt  }
0x72: {  	_ =	shalt  }
0x73: {  	_ =	shalt  }
0x74: {  	_ =	shalt  }
0x75: {  	_ =	shalt  }
0x76: {  	_ =	shalt  }
0x77: {  	_ =	shalt  }
0x78: {  	_ =	shalt  }
0x79: {  	_ =	shalt  }
0x7a: {  	_ =	shalt  }
0x7b: {  	_ =	shalt  }
0x7c: {  	_ =	shalt  }
0x7d: {  	_ =	shalt  }
0x7e: {  	_ =	shalt  }
0x7f: {  	_ =	shalt  }
0x80: {  	_ =	shalt  }
0x81: {  	_ =	shalt  }
0x82: {  	_ =	shalt  }
0x83: {  	_ =	shalt  }
0x84: {  	_ =	shalt  }
0x85: {  	_ =	shalt  }
0x86: {  	_ =	shalt  }
0x87: {  	_ =	shalt  }
.Lfunc_end0:
.L_simem_size_0:
called_computation_lowered:
.L_overlay_start_0:
0x88: {  	s2 =	sld [smem:$0x3FD9]  }
0x89: {  	s3 =	sld [smem:$0x3FFE];
	_ =	sdelay $0x1  }
0x8a: {  	s1 =	srdreg.scid  }
0x8b: {  	s0 =	sand.u32 $0x1, s1  }
0x8c: {  	s17 =	sshll.u32 s0, $0xA;
	s2 =	sadd.s32 s3, s2  }
0x8d: {  	s2 =	sadd.s32 s2, s17  }
0x8e: {  	[smem:$0x3FC2] =	sst s2  }
0x8f: {  	_ = 	snop  }
0x90: {  	s2 =	sld [smem:$0x3FD0];
	(tm) =	ssettm $0x1  }
0x91: {  	s18 =	sld [smem:$0x3FFB];
	_ =	sdelay $0x3  }
0x92: {  	_ =	strace s18  }
0x93: {  	s3 =	sld [smem:$0x3FFC];
	_ =	sdelay $0x3  }
0x94: {  	_ =	strace s3  }
0x95: {  	s3 =	sld [smem:$0x3FFD];
	_ =	sdelay $0x3  }
0x96: {  	_ =	strace s3  }
0x97: {  	_ =	strace $0x8FFFFFFF  }
0x98: {  	s19 =	sld [smem:$0x3FDB];
	_ =	sdelay $0x1  }
0x99: {  	s4 =	simm.s32 $_scs_section_size  }
0x9a: {  	s5 =	simm.s32 $_size__tile_overlayer_lowered;
	s6 =	simm.s32 $_tile_overlayer_lowered  }
0x9b: {  	s22 =	simm.s32 $0x1BFF;
	s21 =	sshll.u32 s6, $0x1;
	s3 =	sadd.s32 s4, s19  }
0x9c: {  	s7 =	simm.s32 $0x0;
	s20 =	sshll.u32 s5, $0x1;
	s5 =	sadd.s32 s21, s3  }
0x9d: {  	[timem:s7], [sflag:s22] =	dma.local [hbm:s5], s20  }
0x9e: {  	_ =	swait.ge [sflag:s22], s20  }
0x9f: {  	s4 =	ssub.s32 $0x0, s20;
	[sflag:s22] =	ssyncset.done $0x0  }
0xa0: {  	[sflag:s22] =	ssyncadd.s32 s4;
	_ =	sdelay $0x1  }
0xa1: {  	s23 =	simm.s32 $0x1B8B  }
0xa2: {  	_ =	swait.ge [sflag:s23], $0x1  }
0xa3: {  	[sflag:s23] =	ssyncset.done $0x0  }
0xa4: {  	s25 =	simm.s32 $0x1B8E;
	s24 =	sld [smem:$0x3FFE];
	[sflag:s23] =	ssyncadd.s32 $0xFFFFFFFF  }
0xa5: {  	s26 =	simm.s32 $execute0_lowered;
	[smem:$0x3FD2] =	sst s25  }
0xa6: {  	s5 =	sshll.u32 s26, $0x1;
	_ =	strace $0x80000046;
	[dreg:$0x1] =	wrdreg $0xFFFFFFFF  }
0xa7: {  	s28 =	simm.s32 $_size_execute0_lowered;
	s3 =	sadd.s32 s3, s5;
	[dreg:$0x0] =	wrdreg $0x0  }
0xa8: {  	s5 =	sshll.u32 s28, $0x1;
	[dreg:$0x2] =	wrdreg s3  }
0xa9: {  	[dreg:$0x3] =	wrdreg s5  }
0xaa: {  	[dreg:$0x4] =	wrdreg $0xC0  }
0xab: {  	_ =	task [dreg:s7], $0x5FFFF  }
0xac: {  	[dreg:$0x1] =	wrdreg $0xFFFFFFFF  }
0xad: {  	[dreg:$0x0] =	wrdreg $0x60  }
0xae: {  	[dreg:$0x2] =	wrdreg s2  }
0xaf: {  	[dreg:$0x3] =	wrdreg s24  }
0xb0: {  	[dreg:$0x4] =	wrdreg $0x115000  }
0xb1: {  	[dreg:$0x5] =	wrdreg $0x9  }
0xb2: {  	_ =	task.clear_ibuf [dreg:s7], $0x6FFFF;
	_ =	strace $0x90000046  }
0xb3: {  	s29 =	simm.s32 $0x9;
	_ =	strace $0x80000048  }
0xb4: {  	_ =	swait.ge [sflag:s29], $0x1  }
0xb5: {  	[sflag:s29] =	ssyncadd.s32 $0xFFFFFFFF  }
0xb6: {  	_ =	strace $0x90000048  }
0xb7: {  	_ =	sfence  }
0xb8: {  	s30 =	sld [smem:$0x0];
	_ =	sdelay $0x2  }
0xb9: {  	s31 =	sshll.u32 s1, $0xD;
	s1 =	sshrl.u32 s1, $0x2  }
0xba: {  	s3 =	sand.u32 $0x4000, s31;
	s1 =	sadd.s32 s1, s30  }
0xbb: {  	s0 =	sor.u32 s3, s0;
	s1 =	sshll.u32 s1, $0x11  }
0xbc: {  	s0 =	sor.u32 s1, s0  }
0xbd: {  	s0 =	sadd.s32 $0x8F2B, s0  }
0xbe: {  	[sflag:s0] =	ssyncadd.remote.s32 $0x1  }
0xbf: {  	_ =	sfence.sel $0xFFFF  }
0xc0: {  	[dreg:$0x0] =	wrdreg $0xFFFFFFFF;
	(pc) =	sbr.abs _section_cstart, $3  }
0xc1: {  	[dreg:$0x1] =	wrdreg $0xFFFFFFFF  }
0xc2: {  	_ =	task.clear_ibuf [dreg:s7], $0x2FFFF;
	_ =	strace $0x9FFFFFFF  }
0xc3: {  	(tm) =	ssettm $0x7FFFFFFF  }
tec
execute0_lowered:
.L_overlay_start_1:
0x0: {  	(tag) =	ssettag $0x1  }
0x1: {  	s1 =	rddreg [dreg:$0x0]  }
0x2: {  	s8 =	rddreg [dreg:$0x1]  }
0x3: {  	s3 =	rddreg [dreg:$0x2]  }
0x4: {  	s0 =	rddreg [dreg:$0x3];
	s4 =	simm.s32 $0x0  }
0x5: {  	s2 =	stileid.u32;
	s9 =	srdreg.scid;
	s19 =	simm.s32 $0x3  }
0x6: {  	s20 =	simm.s32 $0x4E80;
	s21 =	simm.s32 $0x80;
	s22 =	simm.s32 $0x9D00  }
0x7: {  	s23 =	simm.s32 $0x1;
	s24 =	simm.s32 $0xC500;
	s25 =	simm.s32 $0x2  }
0x8: {  	s26 =	simm.s32 $0x9C80;
	s28 =	simm.s32 $0x0;
	s6 =	smul.u32 $0x9D0, s2  }
0x9: {  	[smem:$0x7FF] =	sst s4;
	s5 =	sadd.s32 $0x17FA00, s8;
	s10 =	smul.u32 $0x32000, s2  }
0xa: {  	s7 =	sadd.s32 $0x1B2000, s8;
	s18 =	sand.u32 $0x1, s9;
	s16 =	smul.u32 $0xC800, s2  }
0xb: {  	_ =	strace $0x80000047;
	s9 =	ssub.s32 $0x2, s18;
	p0 =	sne.s32 s18, $0x0  }
0xc: {  	s18 =	simm.s32 $0xED00;
	s15 =	sadd.s32 s6, s8;
	s6 =	sadd.s32 $0x198A00, s8  }
.Ltmp0:
0xd: {  	s10 =	sshrl.u32 s10, $0x2;
	s11 =	sshrl.u32 s9, $0x1;
	(pc) =	sbr.rel .LBB2_1-.Ltmp0, $4  }
0xe: {  	s8 =	sadd.s32 $0x199000, s8;
	s13 =	sadd.s32 s10, s3;
	s17 =	ssub.s32 s9, s11  }
0xf: {  	s9 =	sadd.s32 s16, s3;
	s14 =	sadd.s32 $0x16BE00, s15;
	s15 =	sadd.s32 $0x175C00, s15  }
0x10: {  	s16 =	sshrl.u32 s16, $0x3;
	s10 =	sadd.s32 $0x2800, s13;
	s11 =	sadd.s32 $0x5000, s13  }
0x11: {  	s12 =	sadd.s32 $0x7800, s13;
	s13 =	sadd.s32 $0xA000, s13;
	s17 =	smax.u32 s17, $0x1  }
.LBB2_7:
0x12: {  	[sflag:s19] =	ssyncadd.s32 $0xFFFFD800;
	s29 =	smov.u32 s8  }
.LBB2_8:
0x13: {  	_ =	swait.ge [sflag:s23], $0x2800  }
0x14: {  	[sflag:s23] =	ssyncset.done $0x0  }
0x15: {  	[sflag:s23] =	ssyncadd.s32 $0xFFFFD800  }
0x16: {  	[spmem:s3] =	stream.indirect.scatter.add.f32 [tilespmem:s22], [sflag:$0x3], $0x50, s26, s21, $0xb8;
	[tilespmem:$0x1DD00] =	vst v63  }
0x17: {  	s29 =	sadd.s32 s29, s16;
	_ =	swait.ge [sflag:s19], $0x2800  }
0x18: {  	s30 =	sshll.u32 s2, $0x6;
	s28 =	sadd.s32 $0x1, s28;
	[sflag:s19] =	ssyncset.done $0x0  }
0x19: {  	s31 =	sshrl.u32 s9, $0x3;
	p1 =	sne.s32 s28, s17;
	[sflag:s19] =	ssyncadd.s32 $0xFFFFD800  }
.Ltmp1:
0x1a: {  	s30 =	sor.u32 $0x1C03, s30;
	[bflag:$0x0] =	sbarrier.arrive $0xFFFF;
	(pc) =	sbr.rel @!p1 .LBB2_9-.Ltmp1, $4  }
0x1b: {  	[hbm:s29], [sflag:s30] =	dma.local [spmem:s31], $0x1900  }
0x1c: {  	_ =	swait.ge [sflag:s19], $0x1900  }
0x1d: {  	[sflag:s19] =	ssyncset.done $0x0  }
0x1e: {  	[sflag:s19] =	ssyncadd.s32 $0xFFFFE700  }
.LBB2_1:
0x1f: {  	[tilespmem:s18], [sflag:$0x3] =	stream.linear.gather [hbm4b:s6+s4], $0x2800, $0x38;
	[tilespmem:$0x1DD00] =	vst v63  }
0x20: {  	_ =	swait.ge [sflag:s19], $0x2800  }
0x21: {  	[sflag:s19] =	ssyncset.done $0x0  }
0x22: {  	[sflag:s19] =	ssyncadd.s32 $0xFFFFD800  }
0x23: {  	[spmem:s9] =	stream.linear.scatter [tilespmem:s18], [sflag:$0x3], $0x2800, $0x38;
	[tilespmem:$0x1DD00] =	vst v63  }
0x24: {  	_ =	swait.ge [sflag:s19], $0x2800  }
0x25: {  	[sflag:s19] =	ssyncset.done $0x0  }
0x26: {  	[sflag:s19] =	ssyncadd.s32 $0xFFFFD800  }
0x27: {  	[spmem:s10] =	stream.linear.scatter [tilespmem:s18], [sflag:$0x3], $0x2800, $0x38;
	[tilespmem:$0x1DD00] =	vst v63  }
0x28: {  	_ =	swait.ge [sflag:s19], $0x2800  }
0x29: {  	[sflag:s19] =	ssyncset.done $0x0  }
0x2a: {  	[sflag:s19] =	ssyncadd.s32 $0xFFFFD800  }
0x2b: {  	[spmem:s11] =	stream.linear.scatter [tilespmem:s18], [sflag:$0x3], $0x2800, $0x38;
	[tilespmem:$0x1DD00] =	vst v63  }
0x2c: {  	_ =	swait.ge [sflag:s19], $0x2800  }
0x2d: {  	[sflag:s19] =	ssyncset.done $0x0  }
0x2e: {  	[sflag:s19] =	ssyncadd.s32 $0xFFFFD800  }
0x2f: {  	[spmem:s12] =	stream.linear.scatter [tilespmem:s18], [sflag:$0x3], $0x2800, $0x38;
	[tilespmem:$0x1DD00] =	vst v63  }
0x30: {  	_ =	swait.ge [sflag:s19], $0x2800  }
0x31: {  	[sflag:s19] =	ssyncset.done $0x0  }
0x32: {  	[sflag:s19] =	ssyncadd.s32 $0xFFFFD800  }
0x33: {  	[spmem:s13] =	stream.linear.scatter [tilespmem:s18], [sflag:$0x3], $0x2800, $0x38;
	[tilespmem:$0x1DD00] =	vst v63  }
0x34: {  	_ =	swait.ge [sflag:s19], $0x2800  }
0x35: {  	[sflag:s19] =	ssyncset.done $0x0  }
0x36: {  	[sflag:s19] =	ssyncadd.s32 $0xFFFFD800  }
0x37: {  	[tilespmem:s4], [sflag:$0x3] =	stream.linear.gather [hbm4b:s14+s4], $0x4E80, $0x38;
	[tilespmem:$0x1DD00] =	vst v63  }
0x38: {  	_ =	swait.ge [sflag:s19], $0x4E80  }
0x39: {  	[sflag:s19] =	ssyncset.done $0x0  }
0x3a: {  	[sflag:s19] =	ssyncadd.s32 $0xFFFFB180  }
0x3b: {  	[tilespmem:s20], [sflag:$0x3] =	stream.linear.gather [hbm4b:s15+s4], $0x4E80, $0x38;
	[tilespmem:$0x1DD00] =	vst v63  }
.Ltmp2:
0x3c: {  	_ =	swait.ge [sflag:s19], $0x4E80;
	(pc) =	sbr.rel @p0 .LBB2_5-.Ltmp2, $4  }
0x3d: {  	[sflag:s19] =	ssyncset.done $0x0  }
0x3e: {  	[sflag:s19] =	ssyncadd.s32 $0xFFFFB180  }
0x3f: {  	[bflag:$0x0] =	sbarrier.arrive $0xFFFF  }
0x40: {  	s29 =	simm.s32 $0x0  }
0x41: {  	[tilespmem:s22], [sflag:$0x1] =	stream.indirect.gather [hbm4b:s1+s21], $0x50, s29, s21, $0xb8;
	[tilespmem:$0x1DD00] =	vst v63  }
0x42: {  	_ =	swait.ge [sflag:s23], $0x2800  }
0x43: {  	[sflag:s23] =	ssyncset.done $0x0  }
0x44: {  	s29 =	simm.s32 $0x80;
	[sflag:s23] =	ssyncadd.s32 $0xFFFFD800  }
0x45: {  	[tilespmem:s24], [sflag:$0x2] =	stream.indirect.gather [hbm4b:s1+s21], $0x50, s29, s21, $0xb8;
	[tilespmem:$0x1DD00] =	vst v63  }
0x46: {  	s29 =	simm.s32 $0x4E80  }
0x47: {  	[spmem:s3] =	stream.indirect.scatter.add.f32 [tilespmem:s22], [sflag:$0x3], $0x50, s29, s21, $0xb8;
	[tilespmem:$0x1DD00] =	vst v63  }
0x48: {  	_ =	swait.ge [sflag:s19], $0x2800  }
0x49: {  	[sflag:s19] =	ssyncset.done $0x0  }
0x4a: {  	[sflag:s19] =	ssyncadd.s32 $0xFFFFD800  }
0x4b: {  	_ =	swait.ge [sflag:s25], $0x2800  }
0x4c: {  	[sflag:s25] =	ssyncset.done $0x0  }
0x4d: {  	s29 =	simm.s32 $0x100;
	[sflag:s25] =	ssyncadd.s32 $0xFFFFD800  }
0x4e: {  	[tilespmem:s22], [sflag:$0x1] =	stream.indirect.gather [hbm4b:s1+s21], $0x50, s29, s21, $0xb8;
	[tilespmem:$0x1DD00] =	vst v63  }
0x4f: {  	s29 =	simm.s32 $0x4F00  }
0x50: {  	[spmem:s3] =	stream.indirect.scatter.add.f32 [tilespmem:s24], [sflag:$0x3], $0x50, s29, s21, $0xb8;
	[tilespmem:$0x1DD00] =	vst v63  }
0x51: {  	_ =	swait.ge [sflag:s19], $0x2800  }
0x52: {  	s29 =	simm.s32 $0x400;
	[sflag:s19] =	ssyncset.done $0x0  }
.LBB2_3:
0x53: {  	p1 =	seq.s32 s29, $0x13400  }
0x54: {  	[sflag:s19] =	ssyncadd.s32 $0xFFFFD800;
	s30 =	smov.u32 s29;
	s29 =	sadd.s32 $0x400, s29  }
0x55: {  	_ = 	snop  }
0x56: {  	_ =	swait.ge [sflag:s23], $0x2800  }
0x57: {  	s30 =	sshra.s32 s30, $0x2;
	[sflag:s23] =	ssyncset.done $0x0  }
0x58: {  	s31 =	sadd.s32 $0x80, s30;
	[sflag:s23] =	ssyncadd.s32 $0xFFFFD800  }
0x59: {  	[tilespmem:s24], [sflag:$0x2] =	stream.indirect.gather [hbm4b:s1+s21], $0x50, s31, s21, $0xb8;
	[tilespmem:$0x1DD00] =	vst v63  }
0x5a: {  	s31 =	sadd.s32 $0x4E80, s30  }
0x5b: {  	[spmem:s3] =	stream.indirect.scatter.add.f32 [tilespmem:s22], [sflag:$0x3], $0x50, s31, s21, $0xb8;
	[tilespmem:$0x1DD00] =	vst v63  }
0x5c: {  	_ =	swait.ge [sflag:s19], $0x2800  }
0x5d: {  	[sflag:s19] =	ssyncset.done $0x0  }
0x5e: {  	[sflag:s19] =	ssyncadd.s32 $0xFFFFD800  }
0x5f: {  	_ =	swait.ge [sflag:s25], $0x2800  }
0x60: {  	[sflag:s25] =	ssyncset.done $0x0  }
0x61: {  	s31 =	sadd.s32 $0x100, s30;
	[sflag:s25] =	ssyncadd.s32 $0xFFFFD800  }
0x62: {  	[tilespmem:s22], [sflag:$0x1] =	stream.indirect.gather [hbm4b:s1+s21], $0x50, s31, s21, $0xb8;
	[tilespmem:$0x1DD00] =	vst v63  }
.Ltmp3:
0x63: {  	_ = 	snop;
	(pc) =	sbr.rel @!p1 .LBB2_3-.Ltmp3, $4  }
0x64: {  	s30 =	sadd.s32 $0x4F00, s30  }
0x65: {  	[spmem:s3] =	stream.indirect.scatter.add.f32 [tilespmem:s24], [sflag:$0x3], $0x50, s30, s21, $0xb8;
	[tilespmem:$0x1DD00] =	vst v63  }
0x66: {  	_ =	swait.ge [sflag:s19], $0x2800  }
0x67: {  	[sflag:s19] =	ssyncset.done $0x0  }
.Ltmp4:
0x68: {  	(pc) =	sbr.rel .LBB2_8-.Ltmp4, $2  }
0x69: {  	_ =	sdelay $0x2  }
0x6a: {  	[sflag:s19] =	ssyncadd.s32 $0xFFFFD800;
	s29 =	smov.u32 s7  }
.LBB2_5:
0x6b: {  	[tilespmem:s22], [sflag:$0x1] =	stream.indirect.gather [hbm4b:s5+s21], $0x50, s29, s21, $0xb8;
	[tilespmem:$0x1DD00] =	vst v63  }
0x6c: {  	_ =	swait.ge [sflag:s23], $0x2800  }
0x6d: {  	[sflag:s23] =	ssyncset.done $0x0  }
0x6e: {  	s29 =	simm.s32 $0x80;
	[sflag:s23] =	ssyncadd.s32 $0xFFFFD800  }
0x6f: {  	[tilespmem:s24], [sflag:$0x2] =	stream.indirect.gather [hbm4b:s5+s21], $0x50, s29, s21, $0xb8;
	[tilespmem:$0x1DD00] =	vst v63  }
0x70: {  	s29 =	simm.s32 $0x4E80  }
0x71: {  	[spmem:s3] =	stream.indirect.scatter.add.f32 [tilespmem:s22], [sflag:$0x3], $0x50, s29, s21, $0xb8;
	[tilespmem:$0x1DD00] =	vst v63  }
0x72: {  	_ =	swait.ge [sflag:s19], $0x2800  }
0x73: {  	[sflag:s19] =	ssyncset.done $0x0  }
0x74: {  	[sflag:s19] =	ssyncadd.s32 $0xFFFFD800  }
0x75: {  	_ =	swait.ge [sflag:s25], $0x2800  }
0x76: {  	[sflag:s25] =	ssyncset.done $0x0  }
0x77: {  	s29 =	simm.s32 $0x100;
	[sflag:s25] =	ssyncadd.s32 $0xFFFFD800  }
0x78: {  	[tilespmem:s22], [sflag:$0x1] =	stream.indirect.gather [hbm4b:s5+s21], $0x50, s29, s21, $0xb8;
	[tilespmem:$0x1DD00] =	vst v63  }
0x79: {  	s29 =	simm.s32 $0x4F00  }
0x7a: {  	[spmem:s3] =	stream.indirect.scatter.add.f32 [tilespmem:s24], [sflag:$0x3], $0x50, s29, s21, $0xb8;
	[tilespmem:$0x1DD00] =	vst v63  }
0x7b: {  	_ =	swait.ge [sflag:s19], $0x2800  }
0x7c: {  	s29 =	simm.s32 $0x400;
	[sflag:s19] =	ssyncset.done $0x0  }
.LBB2_6:
0x7d: {  	p1 =	sne.s32 s29, $0x13400  }
0x7e: {  	[sflag:s19] =	ssyncadd.s32 $0xFFFFD800;
	s30 =	smov.u32 s29;
	s29 =	sadd.s32 $0x400, s29  }
0x7f: {  	_ = 	snop  }
0x80: {  	_ =	swait.ge [sflag:s23], $0x2800  }
0x81: {  	s30 =	sshra.s32 s30, $0x2;
	[sflag:s23] =	ssyncset.done $0x0  }
0x82: {  	s31 =	sadd.s32 $0x80, s30;
	[sflag:s23] =	ssyncadd.s32 $0xFFFFD800  }
0x83: {  	[tilespmem:s24], [sflag:$0x2] =	stream.indirect.gather [hbm4b:s5+s21], $0x50, s31, s21, $0xb8;
	[tilespmem:$0x1DD00] =	vst v63  }
0x84: {  	s31 =	sadd.s32 $0x4E80, s30  }
0x85: {  	[spmem:s3] =	stream.indirect.scatter.add.f32 [tilespmem:s22], [sflag:$0x3], $0x50, s31, s21, $0xb8;
	[tilespmem:$0x1DD00] =	vst v63  }
0x86: {  	_ =	swait.ge [sflag:s19], $0x2800  }
0x87: {  	[sflag:s19] =	ssyncset.done $0x0  }
0x88: {  	[sflag:s19] =	ssyncadd.s32 $0xFFFFD800  }
0x89: {  	_ =	swait.ge [sflag:s25], $0x2800  }
0x8a: {  	[sflag:s25] =	ssyncset.done $0x0  }
0x8b: {  	s31 =	sadd.s32 $0x100, s30;
	[sflag:s25] =	ssyncadd.s32 $0xFFFFD800  }
0x8c: {  	[tilespmem:s22], [sflag:$0x1] =	stream.indirect.gather [hbm4b:s5+s21], $0x50, s31, s21, $0xb8;
	[tilespmem:$0x1DD00] =	vst v63  }
.Ltmp5:
0x8d: {  	_ = 	snop;
	(pc) =	sbr.rel @p1 .LBB2_6-.Ltmp5, $4  }
0x8e: {  	s30 =	sadd.s32 $0x4F00, s30  }
0x8f: {  	[spmem:s3] =	stream.indirect.scatter.add.f32 [tilespmem:s24], [sflag:$0x3], $0x50, s30, s21, $0xb8;
	[tilespmem:$0x1DD00] =	vst v63  }
0x90: {  	_ =	swait.ge [sflag:s19], $0x2800  }
0x91: {  	[sflag:s19] =	ssyncset.done $0x0  }
.Ltmp6:
0x92: {  	_ = 	snop;
	(pc) =	sbr.rel .LBB2_7-.Ltmp6, $1  }
0x93: {  	_ =	sdelay $0x3  }
.LBB2_9:
0x94: {  	_ =	sfence.sel $0x180000  }
0x95: {  	[bflag:$0x0] =	sbarrier.arrive $0xFFFF  }
0x96: {  	p0 =	sne.s32 s2, $0x0;
	_ =	strace $0x90000047  }
0x97: {  	s0 =	sadd.s32 @!p0 $0x100000, s0;
	[bflag:$0x2] =	sbarrier.arrive $0xFFFF  }
0x98: {  	[sflag:s0] =	ssyncadd.tile.s32 @!p0 $0x1;
	_ =	shalt  }
.Lfunc_end2:
_tile_overlayer_lowered:
.L_overlay_start_2:
0x99: {  	(tag) =	ssettag $0x2  }
0x9a: {  	s0 =	rddreg [dreg:$0x0];
	s2 =	stileid.u32  }
0x9b: {  	s1 =	rddreg [dreg:$0x1];
	p0 =	sne.s32 s2, $0x0  }
0x9c: {  	s3 =	rddreg [dreg:$0x2];
	[bflag:$0x3] =	sbarrier.arrive $0xFFFF;
	s2 =	simm.s32 @!p0 $0x1C03  }
0x9d: {  	[timem:s3], [sflag:s2] =	dma.local @!p0 [hbm:s0], s1  }
0x9e: {  	s0 =	simm.s32 @!p0 $0x3  }
0x9f: {  	_ =	swait.ge @!p0 [sflag:s0], s1  }
0xa0: {  	s1 =	ssub.s32 @!p0 $0x0, s1;
	[sflag:s0] =	ssyncset.done @!p0 $0x0  }
0xa1: {  	[sflag:s0] =	ssyncadd.s32 @!p0 s1  }
0xa2: {  	[bflag:$0x3] =	sbarrier.arrive $0xFFFF  }
0xa3: {  	_ =	shalt  }

</sc_bundles>
